<compile_context>
chip_gen: v7x
topology: tpu7x:2x2x1
jax: 0.10.2.dev20260603
libtpu: 0.0.44.dev20260713+nightly
codegen_flags: <defaults>
</compile_context>

<pallas_src>
import functools

import jax
import jax.numpy as jnp
from jax import lax
from jax.experimental import pallas as pl
from jax.experimental.pallas import tpu as pltpu
from jax.experimental.pallas import tpu_sc as plsc

N = 10000
E = 320000
D = 128
H = 128

NC = 2
NS = 16
NW = NC * NS

CHUNK = 128
NCHUNK = -(-E // (NW * CHUNK))
EPW = NCHUNK * CHUNK
E_PAD = EPW * NW

SZ = 640
N_ACC = SZ * NS

_f32 = jnp.float32



def _dense_first(h, W, Wr, br):
    def body(h_ref, W_ref, Wr_ref, br_ref, m_ref, res_ref):
        hb = h_ref[...]
        m_ref[...] = jnp.dot(hb, W_ref[...], preferred_element_type=_f32)
        res_ref[...] = jnp.maximum(
            jnp.dot(hb, Wr_ref[...], preferred_element_type=_f32) + br_ref[...], 0.0)

    BN = 1000
    return pl.pallas_call(
        body,
        grid=(N // BN,),
        in_specs=[
            pl.BlockSpec((BN, D), lambda i: (i, 0)),
            pl.BlockSpec((D, H), lambda i: (0, 0)),
            pl.BlockSpec((D, H), lambda i: (0, 0)),
            pl.BlockSpec((1, H), lambda i: (0, 0)),
        ],
        out_specs=[
            pl.BlockSpec((BN, H), lambda i: (i, 0)),
            pl.BlockSpec((BN, H), lambda i: (i, 0)),
        ],
        out_shape=[jax.ShapeDtypeStruct((N, H), _f32)] * 2,
    )(h, W, Wr, br.reshape(1, H))


def _dense_mid(p, b, res, W, Wr, br):
    def body(p_ref, b_ref, res_ref, W_ref, Wr_ref, br_ref, m_ref, res2_ref):
        h1 = jnp.maximum(p_ref[0] + p_ref[1] + b_ref[...], 0.0) + res_ref[...]
        m_ref[...] = jnp.dot(h1, W_ref[...], preferred_element_type=_f32)
        res2_ref[...] = jnp.maximum(
            jnp.dot(h1, Wr_ref[...], preferred_element_type=_f32) + br_ref[...], 0.0)

    BN = 1000
    return pl.pallas_call(
        body,
        grid=(N // BN,),
        in_specs=[
            pl.BlockSpec((2, BN, H), lambda i: (0, i, 0)),
            pl.BlockSpec((1, H), lambda i: (0, 0)),
            pl.BlockSpec((BN, H), lambda i: (i, 0)),
            pl.BlockSpec((H, H), lambda i: (0, 0)),
            pl.BlockSpec((H, H), lambda i: (0, 0)),
            pl.BlockSpec((1, H), lambda i: (0, 0)),
        ],
        out_specs=[
            pl.BlockSpec((BN, H), lambda i: (i, 0)),
            pl.BlockSpec((BN, H), lambda i: (i, 0)),
        ],
        out_shape=[jax.ShapeDtypeStruct((N, H), _f32)] * 2,
    )(p, b.reshape(1, H), res, W, Wr, br.reshape(1, H))


def _combine_last(p, b, res):
    def body(p_ref, b_ref, res_ref, o_ref):
        o_ref[...] = (
            jnp.maximum(p_ref[0] + p_ref[1] + b_ref[...], 0.0) + res_ref[...])

    BN = 1000
    return pl.pallas_call(
        body,
        grid=(N // BN,),
        in_specs=[
            pl.BlockSpec((2, BN, H), lambda i: (0, i, 0)),
            pl.BlockSpec((1, H), lambda i: (0, 0)),
            pl.BlockSpec((BN, H), lambda i: (i, 0)),
        ],
        out_specs=pl.BlockSpec((BN, H), lambda i: (i, 0)),
        out_shape=jax.ShapeDtypeStruct((N, H), _f32),
    )(p, b.reshape(1, H), res)



def _sc_segment_sum(m, srcp, dstp, zeros):
    mesh = plsc.VectorSubcoreMesh(
        core_axis_name="c", subcore_axis_name="s",
        num_cores=NC, num_subcores=NS)

    @functools.partial(
        pl.kernel,
        mesh=mesh,
        out_type=jax.ShapeDtypeStruct((NC, N_ACC, H), _f32),
        scratch_types=[
            pltpu.VMEM((CHUNK,), jnp.int32),
            pltpu.VMEM((CHUNK,), jnp.int32),
            pltpu.VMEM((CHUNK, H), _f32),
            pltpu.VMEM_SHARED((N_ACC, H), _f32),
            pltpu.SemaphoreType.DMA,
        ],
    )
    def sc_kernel(m_hbm, src_hbm, dst_hbm, z_hbm, out_hbm,
                  sidx_v, didx_v, rows_v, acc_sh, sem):
        c = lax.axis_index("c")
        s = lax.axis_index("s")
        wid = s * NC + c
        base = wid * EPW

        pltpu.sync_copy(z_hbm, acc_sh.at[pl.ds(s * SZ, SZ)])
        plsc.subcore_barrier()

        @pl.loop(0, NCHUNK)
        def _chunk(t):
            off = base + t * CHUNK
            pltpu.sync_copy(src_hbm.at[pl.ds(off, CHUNK)], sidx_v)
            pltpu.sync_copy(dst_hbm.at[pl.ds(off, CHUNK)], didx_v)
            pltpu.async_copy(m_hbm.at[sidx_v], rows_v, sem).wait()
            pltpu.sync_copy(rows_v, acc_sh.at[didx_v], add=True)

        plsc.subcore_barrier()
        pltpu.sync_copy(acc_sh.at[pl.ds(s * SZ, SZ)],
                        out_hbm.at[c, pl.ds(s * SZ, SZ)])

    return sc_kernel(m, srcp, dstp, zeros)



def kernel(h, edge_index, W1, b1, Wr1, br1, W2, b2, Wr2, br2):
    src = edge_index[0].astype(jnp.int32)
    dst = edge_index[1].astype(jnp.int32)
    pad = E_PAD - E
    srcp = jnp.concatenate([src, jnp.zeros((pad,), jnp.int32)])
    dstp = jnp.concatenate([dst, jnp.full((pad,), N, jnp.int32)])
    zeros = jnp.zeros((SZ, H), _f32)

    m1, res1 = _dense_first(h, W1, Wr1, br1)
    p1 = _sc_segment_sum(m1, srcp, dstp, zeros)
    m2, res2 = _dense_mid(p1, b1, res1, W2, Wr2, br2)
    p2 = _sc_segment_sum(m2, srcp, dstp, zeros)
    return _combine_last(p2, b2, res2)

# --- scband reference (transcript-rebuilt; emitter-appended) ---
"""Pipeline reference for scband-mol-gnn-3547642987144 (READ-ONLY COPY).

The authoritative reference and input builder live on the scoring server;
editing this copy changes nothing except your own understanding.
"""

import jax, jax.numpy as jnp
import numpy as np

N = 10000
E = 320000
D = 128
H = 128

def setup_inputs(seed: int = 0) -> dict:
    key = jax.random.key(seed)
    ks = jax.random.split(key, 12)
    h = jax.random.normal(ks[0], (N, D), dtype=jnp.float32)
    edge_index = jax.random.randint(ks[1], (2, E), 0, N, dtype=jnp.int64)
    s1 = 1.0 / np.sqrt(D)
    s2 = 1.0 / np.sqrt(H)
    W1 = jax.random.uniform(ks[2], (D, H), jnp.float32, -s1, s1)
    b1 = jnp.zeros((H,), jnp.float32)
    Wr1 = jax.random.uniform(ks[3], (D, H), jnp.float32, -s1, s1)
    br1 = jax.random.uniform(ks[4], (H,), jnp.float32, -s1, s1)
    W2 = jax.random.uniform(ks[5], (H, H), jnp.float32, -s2, s2)
    b2 = jnp.zeros((H,), jnp.float32)
    Wr2 = jax.random.uniform(ks[6], (H, H), jnp.float32, -s2, s2)
    br2 = jax.random.uniform(ks[7], (H,), jnp.float32, -s2, s2)
    return {"h": h, "edge_index": edge_index, "W1": W1, "b1": b1, "Wr1": Wr1, "br1": br1, "W2": W2, "b2": b2, "Wr2": Wr2, "br2": br2}

def _gcn_layer(h, src, dst, W, b, Wr, br):
    # DGL GraphConv with norm='none': aggregate sum of (h W) from src -> dst, add bias, relu
    m = h @ W
    agg = jax.ops.segment_sum(m[src], dst, num_segments=N)
    conv = jax.nn.relu(agg + b)
    # dgllife GCNLayer residual: activation(Linear(h))
    res = jax.nn.relu(h @ Wr + br)
    return conv + res

def reference(h, edge_index, W1, b1, Wr1, br1, W2, b2, Wr2, br2):
    src = edge_index[0]
    dst = edge_index[1]
    h1 = _gcn_layer(h, src, dst, W1, b1, Wr1, br1)
    h2 = _gcn_layer(h1, src, dst, W2, b2, Wr2, br2)
    return h2

if __name__ == "__main__":
    import jax
    _d = setup_inputs()
    print(jax.jit(kernel)(*tuple(_d.values())))

</pallas_src>

<mosaic_0001>
#map = affine_map<(d0, d1) -> (0, 0)>
#map1 = affine_map<(d0, d1) -> (0)>
#map2 = affine_map<(d0, d1) -> (0, 0, 0)>
module attributes {stable_mosaic.version = 14 : i64} {
  func.func @sc_kernel(%arg0: i32, %arg1: i32, %arg2: memref<10000x128xf32, #tpu.memory_space<hbm>>, %arg3: memref<323584xi32, #tpu.memory_space<hbm>>, %arg4: memref<323584xi32, #tpu.memory_space<hbm>>, %arg5: memref<640x128xf32, #tpu.memory_space<hbm>>, %arg6: memref<2x10240x128xf32, #tpu.memory_space<hbm>>, %arg7: memref<128xi32, #tpu.memory_space<vmem>>, %arg8: memref<128xi32, #tpu.memory_space<vmem>>, %arg9: memref<128x128xf32, #tpu.memory_space<vmem>>, %arg10: memref<10240x128xf32, #tpu.memory_space<vmem_shared>>, %arg11: memref<!tpu.dma_semaphore, #tpu.memory_space<semaphore_mem>>) attributes {dimension_semantics = [#tpu.dimension_semantics<core_parallel>, #tpu.dimension_semantics<subcore_parallel>], iteration_bounds = array<i64: 2, 16>, scalar_prefetch = 0 : i64, scratch_operands = 5 : i64, tpu.core_type = #tpu.core_type<sc_vector_subcore>, window_params = [{transform_indices = #map}, {transform_indices = #map1}, {transform_indices = #map1}, {transform_indices = #map}, {transform_indices = #map2}]} {
    %mul3A = arith.constant 2 : i32
    %mul3A_0 = arith.muli %arg1, %mul3A : i32
    %add3A = arith.addi %mul3A_0, %arg0 : i32
    %mul3A_1 = arith.constant 10112 : i32
    %mul3A_2 = arith.muli %add3A, %mul3A_1 : i32
    %mul3A_3 = arith.constant 640 : i32
    %mul3A_4 = arith.muli %arg1, %mul3A_3 : i32
    "tpu.region"() ({
      %run_scoped3A = tpu.sem_alloc : memref<!tpu.dma_semaphore, #tpu.memory_space<semaphore_mem>>
      %dma_start3A = arith.constant 0 : i32
      %dma_start3A_14 = tpu.memref_slice %arg10[%mul3A_4, %dma_start3A] : memref<10240x128xf32, #tpu.memory_space<vmem_shared>> -> memref<640x128xf32, #tpu.memory_space<vmem_shared>>
      tpu.enqueue_dma source(%arg5 : memref<640x128xf32, #tpu.memory_space<hbm>>) target(%dma_start3A_14 : memref<640x128xf32, #tpu.memory_space<vmem_shared>>) target_semaphore(%run_scoped3A : memref<!tpu.dma_semaphore, #tpu.memory_space<semaphore_mem>>)
      %dma_wait3A = arith.constant 0 : i32
      %dma_wait3A_15 = tpu.memref_slice %arg10[%mul3A_4, %dma_wait3A] : memref<10240x128xf32, #tpu.memory_space<vmem_shared>> -> memref<640x128xf32, #tpu.memory_space<vmem_shared>>
      tpu.wait_dma2 semaphore(%run_scoped3A : memref<!tpu.dma_semaphore, #tpu.memory_space<semaphore_mem>>) src(%arg5 : memref<640x128xf32, #tpu.memory_space<hbm>>) dst(%dma_wait3A_15 : memref<640x128xf32, #tpu.memory_space<vmem_shared>>)
      tpu.yield
    }) : () -> ()
    %barrier3A = arith.constant 0 : index
    tpu.barrier barrier_id(%barrier3A)
    %scan3A = arith.constant 0 : i32
    %scan3A_5 = arith.constant 79 : i32
    %scan3A_6 = arith.addi %scan3A, %scan3A_5 : i32
    %scan3A_7 = arith.constant 1 : i32
    scf.for %scan3A_14 = %scan3A to %scan3A_6 step %scan3A_7  : i32 {
      %mul3A_15 = arith.constant 1 : i32
      %mul3A_16 = arith.muli %scan3A_14, %mul3A_15 : i32
      %add3A_17 = arith.constant 0 : i32
      %add3A_18 = arith.addi %add3A_17, %mul3A_16 : i32
      %mul3A_19 = arith.constant 128 : i32
      %mul3A_20 = arith.muli %add3A_18, %mul3A_19 : i32
      %add3A_21 = arith.addi %mul3A_2, %mul3A_20 : i32
      "tpu.region"() ({
        %run_scoped3A = tpu.sem_alloc : memref<!tpu.dma_semaphore, #tpu.memory_space<semaphore_mem>>
        %dma_start3A_26 = tpu.memref_slice %arg3[%add3A_21] : memref<323584xi32, #tpu.memory_space<hbm>> -> memref<128xi32, #tpu.memory_space<hbm>>
        %dma_start3A_27 = tpu.memref_slice %arg3[%add3A_21] : memref<323584xi32, #tpu.memory_space<hbm>> -> memref<128xi32, #tpu.memory_space<hbm>>
        tpu.enqueue_dma source(%dma_start3A_27 : memref<128xi32, #tpu.memory_space<hbm>>) target(%arg7 : memref<128xi32, #tpu.memory_space<vmem>>) target_semaphore(%run_scoped3A : memref<!tpu.dma_semaphore, #tpu.memory_space<semaphore_mem>>)
        %dma_wait3A_28 = tpu.memref_slice %arg3[%add3A_21] : memref<323584xi32, #tpu.memory_space<hbm>> -> memref<128xi32, #tpu.memory_space<hbm>>
        %dma_wait3A_29 = tpu.memref_slice %arg3[%add3A_21] : memref<323584xi32, #tpu.memory_space<hbm>> -> memref<128xi32, #tpu.memory_space<hbm>>
        tpu.wait_dma2 semaphore(%run_scoped3A : memref<!tpu.dma_semaphore, #tpu.memory_space<semaphore_mem>>) src(%dma_wait3A_29 : memref<128xi32, #tpu.memory_space<hbm>>) dst(%arg7 : memref<128xi32, #tpu.memory_space<vmem>>)
        tpu.yield
      }) : () -> ()
      "tpu.region"() ({
        %run_scoped3A = tpu.sem_alloc : memref<!tpu.dma_semaphore, #tpu.memory_space<semaphore_mem>>
        %dma_start3A_26 = tpu.memref_slice %arg4[%add3A_21] : memref<323584xi32, #tpu.memory_space<hbm>> -> memref<128xi32, #tpu.memory_space<hbm>>
        %dma_start3A_27 = tpu.memref_slice %arg4[%add3A_21] : memref<323584xi32, #tpu.memory_space<hbm>> -> memref<128xi32, #tpu.memory_space<hbm>>
        tpu.enqueue_dma source(%dma_start3A_27 : memref<128xi32, #tpu.memory_space<hbm>>) target(%arg8 : memref<128xi32, #tpu.memory_space<vmem>>) target_semaphore(%run_scoped3A : memref<!tpu.dma_semaphore, #tpu.memory_space<semaphore_mem>>)
        %dma_wait3A_28 = tpu.memref_slice %arg4[%add3A_21] : memref<323584xi32, #tpu.memory_space<hbm>> -> memref<128xi32, #tpu.memory_space<hbm>>
        %dma_wait3A_29 = tpu.memref_slice %arg4[%add3A_21] : memref<323584xi32, #tpu.memory_space<hbm>> -> memref<128xi32, #tpu.memory_space<hbm>>
        tpu.wait_dma2 semaphore(%run_scoped3A : memref<!tpu.dma_semaphore, #tpu.memory_space<semaphore_mem>>) src(%dma_wait3A_29 : memref<128xi32, #tpu.memory_space<hbm>>) dst(%arg8 : memref<128xi32, #tpu.memory_space<vmem>>)
        tpu.yield
      }) : () -> ()
      %dma_start3A = arith.constant 0 : i32
      %dma_start3A_22 = arith.constant 0 : i32
      %dma_start3A_23 = tpu.memref_slice %arg2[%dma_start3A, %dma_start3A_22] : memref<10000x128xf32, #tpu.memory_space<hbm>> -> memref<10000x128xf32, #tpu.memory_space<hbm>>
      tpu.enqueue_indirect_dma source(%dma_start3A_23 : memref<10000x128xf32, #tpu.memory_space<hbm>>) target(%arg9 : memref<128x128xf32, #tpu.memory_space<vmem>>) offsets(%arg7 : memref<128xi32, #tpu.memory_space<vmem>>) semaphore(%arg11 : memref<!tpu.dma_semaphore, #tpu.memory_space<semaphore_mem>>)
      %dma_wait3A = arith.constant 0 : i32
      %dma_wait3A_24 = arith.constant 0 : i32
      %dma_wait3A_25 = tpu.memref_slice %arg2[%dma_wait3A, %dma_wait3A_24] : memref<10000x128xf32, #tpu.memory_space<hbm>> -> memref<10000x128xf32, #tpu.memory_space<hbm>>
      tpu.wait_indirect_dma semaphore(%arg11 : memref<!tpu.dma_semaphore, #tpu.memory_space<semaphore_mem>>) src(%dma_wait3A_25 : memref<10000x128xf32, #tpu.memory_space<hbm>>) dst(%arg9 : memref<128x128xf32, #tpu.memory_space<vmem>>)
      "tpu.region"() ({
        %run_scoped3A = tpu.sem_alloc : memref<!tpu.dma_semaphore, #tpu.memory_space<semaphore_mem>>
        %dma_start3A_26 = arith.constant 0 : i32
        %dma_start3A_27 = arith.constant 0 : i32
        %dma_start3A_28 = tpu.memref_slice %arg10[%dma_start3A_26, %dma_start3A_27] : memref<10240x128xf32, #tpu.memory_space<vmem_shared>> -> memref<10240x128xf32, #tpu.memory_space<vmem_shared>>
        tpu.enqueue_indirect_dma source(%arg9 : memref<128x128xf32, #tpu.memory_space<vmem>>) target(%dma_start3A_28 : memref<10240x128xf32, #tpu.memory_space<vmem_shared>>) offsets(%arg8 : memref<128xi32, #tpu.memory_space<vmem>>) semaphore(%run_scoped3A : memref<!tpu.dma_semaphore, #tpu.memory_space<semaphore_mem>>) {add = true}
        %dma_wait3A_29 = arith.constant 0 : i32
        %dma_wait3A_30 = arith.constant 0 : i32
        %dma_wait3A_31 = tpu.memref_slice %arg10[%dma_wait3A_29, %dma_wait3A_30] : memref<10240x128xf32, #tpu.memory_space<vmem_shared>> -> memref<10240x128xf32, #tpu.memory_space<vmem_shared>>
        tpu.wait_indirect_dma semaphore(%run_scoped3A : memref<!tpu.dma_semaphore, #tpu.memory_space<semaphore_mem>>) src(%arg9 : memref<128x128xf32, #tpu.memory_space<vmem>>) dst(%dma_wait3A_31 : memref<10240x128xf32, #tpu.memory_space<vmem_shared>>)
        tpu.yield
      }) : () -> ()
    }
    %scan3A_8 = arith.constant 79 : i32
    %barrier3A_9 = arith.constant 0 : index
    tpu.barrier barrier_id(%barrier3A_9)
    %mul3A_10 = arith.constant 640 : i32
    %mul3A_11 = arith.muli %arg1, %mul3A_10 : i32
    %mul3A_12 = arith.constant 640 : i32
    %mul3A_13 = arith.muli %arg1, %mul3A_12 : i32
    "tpu.region"() ({
      %run_scoped3A = tpu.sem_alloc : memref<!tpu.dma_semaphore, #tpu.memory_space<semaphore_mem>>
      %dma_start3A = arith.constant 0 : i32
      %dma_start3A_14 = tpu.memref_slice %arg6[%arg0, %mul3A_13, %dma_start3A] : memref<2x10240x128xf32, #tpu.memory_space<hbm>> -> memref<1x640x128xf32, #tpu.memory_space<hbm>>
      %dma_start3A_15 = tpu.memref_squeeze %dma_start3A_14 : memref<1x640x128xf32, #tpu.memory_space<hbm>> -> memref<640x128xf32, #tpu.memory_space<hbm>>
      %dma_start3A_16 = arith.constant 0 : i32
      %dma_start3A_17 = tpu.memref_slice %arg10[%mul3A_11, %dma_start3A_16] : memref<10240x128xf32, #tpu.memory_space<vmem_shared>> -> memref<640x128xf32, #tpu.memory_space<vmem_shared>>
      tpu.enqueue_dma source(%dma_start3A_17 : memref<640x128xf32, #tpu.memory_space<vmem_shared>>) target(%dma_start3A_15 : memref<640x128xf32, #tpu.memory_space<hbm>>) target_semaphore(%run_scoped3A : memref<!tpu.dma_semaphore, #tpu.memory_space<semaphore_mem>>)
      %dma_wait3A = arith.constant 0 : i32
      %dma_wait3A_18 = tpu.memref_slice %arg6[%arg0, %mul3A_13, %dma_wait3A] : memref<2x10240x128xf32, #tpu.memory_space<hbm>> -> memref<1x640x128xf32, #tpu.memory_space<hbm>>
      %dma_wait3A_19 = tpu.memref_squeeze %dma_wait3A_18 : memref<1x640x128xf32, #tpu.memory_space<hbm>> -> memref<640x128xf32, #tpu.memory_space<hbm>>
      %dma_wait3A_20 = arith.constant 0 : i32
      %dma_wait3A_21 = tpu.memref_slice %arg10[%mul3A_11, %dma_wait3A_20] : memref<10240x128xf32, #tpu.memory_space<vmem_shared>> -> memref<640x128xf32, #tpu.memory_space<vmem_shared>>
      tpu.wait_dma2 semaphore(%run_scoped3A : memref<!tpu.dma_semaphore, #tpu.memory_space<semaphore_mem>>) src(%dma_wait3A_21 : memref<640x128xf32, #tpu.memory_space<vmem_shared>>) dst(%dma_wait3A_19 : memref<640x128xf32, #tpu.memory_space<hbm>>)
      tpu.yield
    }) : () -> ()
    return
  }
}

#map = affine_map<(d0, d1) -> (0, 0)>
#map1 = affine_map<(d0, d1) -> (0)>
#map2 = affine_map<(d0, d1) -> (0, 0, 0)>
module attributes {stable_mosaic.version = 14 : i64} {
  func.func @sc_kernel(%arg0: i32, %arg1: i32, %arg2: memref<10000x128xf32, #tpu.memory_space<hbm>>, %arg3: memref<323584xi32, #tpu.memory_space<hbm>>, %arg4: memref<323584xi32, #tpu.memory_space<hbm>>, %arg5: memref<640x128xf32, #tpu.memory_space<hbm>>, %arg6: memref<2x10240x128xf32, #tpu.memory_space<hbm>>, %arg7: memref<128xi32, #tpu.memory_space<vmem>>, %arg8: memref<128xi32, #tpu.memory_space<vmem>>, %arg9: memref<128x128xf32, #tpu.memory_space<vmem>>, %arg10: memref<10240x128xf32, #tpu.memory_space<vmem_shared>>, %arg11: memref<!tpu.dma_semaphore, #tpu.memory_space<semaphore_mem>>) attributes {dimension_semantics = [#tpu.dimension_semantics<core_parallel>, #tpu.dimension_semantics<subcore_parallel>], iteration_bounds = array<i64: 2, 16>, scalar_prefetch = 0 : i64, scratch_operands = 5 : i64, tpu.core_type = #tpu.core_type<sc_vector_subcore>, window_params = [{transform_indices = #map}, {transform_indices = #map1}, {transform_indices = #map1}, {transform_indices = #map}, {transform_indices = #map2}]} {
    %mul3A = arith.constant 2 : i32
    %mul3A_0 = arith.muli %arg1, %mul3A : i32
    %add3A = arith.addi %mul3A_0, %arg0 : i32
    %mul3A_1 = arith.constant 10112 : i32
    %mul3A_2 = arith.muli %add3A, %mul3A_1 : i32
    %mul3A_3 = arith.constant 640 : i32
    %mul3A_4 = arith.muli %arg1, %mul3A_3 : i32
    "tpu.region"() ({
      %run_scoped3A = tpu.sem_alloc : memref<!tpu.dma_semaphore, #tpu.memory_space<semaphore_mem>>
      %dma_start3A = arith.constant 0 : i32
      %dma_start3A_14 = tpu.memref_slice %arg10[%mul3A_4, %dma_start3A] : memref<10240x128xf32, #tpu.memory_space<vmem_shared>> -> memref<640x128xf32, #tpu.memory_space<vmem_shared>>
      tpu.enqueue_dma source(%arg5 : memref<640x128xf32, #tpu.memory_space<hbm>>) target(%dma_start3A_14 : memref<640x128xf32, #tpu.memory_space<vmem_shared>>) target_semaphore(%run_scoped3A : memref<!tpu.dma_semaphore, #tpu.memory_space<semaphore_mem>>)
      %dma_wait3A = arith.constant 0 : i32
      %dma_wait3A_15 = tpu.memref_slice %arg10[%mul3A_4, %dma_wait3A] : memref<10240x128xf32, #tpu.memory_space<vmem_shared>> -> memref<640x128xf32, #tpu.memory_space<vmem_shared>>
      tpu.wait_dma2 semaphore(%run_scoped3A : memref<!tpu.dma_semaphore, #tpu.memory_space<semaphore_mem>>) src(%arg5 : memref<640x128xf32, #tpu.memory_space<hbm>>) dst(%dma_wait3A_15 : memref<640x128xf32, #tpu.memory_space<vmem_shared>>)
      tpu.yield
    }) : () -> ()
    %barrier3A = arith.constant 0 : index
    tpu.barrier barrier_id(%barrier3A)
    %scan3A = arith.constant 0 : i32
    %scan3A_5 = arith.constant 79 : i32
    %scan3A_6 = arith.addi %scan3A, %scan3A_5 : i32
    %scan3A_7 = arith.constant 1 : i32
    scf.for %scan3A_14 = %scan3A to %scan3A_6 step %scan3A_7  : i32 {
      %mul3A_15 = arith.constant 1 : i32
      %mul3A_16 = arith.muli %scan3A_14, %mul3A_15 : i32
      %add3A_17 = arith.constant 0 : i32
      %add3A_18 = arith.addi %add3A_17, %mul3A_16 : i32
      %mul3A_19 = arith.constant 128 : i32
      %mul3A_20 = arith.muli %add3A_18, %mul3A_19 : i32
      %add3A_21 = arith.addi %mul3A_2, %mul3A_20 : i32
      "tpu.region"() ({
        %run_scoped3A = tpu.sem_alloc : memref<!tpu.dma_semaphore, #tpu.memory_space<semaphore_mem>>
        %dma_start3A_26 = tpu.memref_slice %arg3[%add3A_21] : memref<323584xi32, #tpu.memory_space<hbm>> -> memref<128xi32, #tpu.memory_space<hbm>>
        %dma_start3A_27 = tpu.memref_slice %arg3[%add3A_21] : memref<323584xi32, #tpu.memory_space<hbm>> -> memref<128xi32, #tpu.memory_space<hbm>>
        tpu.enqueue_dma source(%dma_start3A_27 : memref<128xi32, #tpu.memory_space<hbm>>) target(%arg7 : memref<128xi32, #tpu.memory_space<vmem>>) target_semaphore(%run_scoped3A : memref<!tpu.dma_semaphore, #tpu.memory_space<semaphore_mem>>)
        %dma_wait3A_28 = tpu.memref_slice %arg3[%add3A_21] : memref<323584xi32, #tpu.memory_space<hbm>> -> memref<128xi32, #tpu.memory_space<hbm>>
        %dma_wait3A_29 = tpu.memref_slice %arg3[%add3A_21] : memref<323584xi32, #tpu.memory_space<hbm>> -> memref<128xi32, #tpu.memory_space<hbm>>
        tpu.wait_dma2 semaphore(%run_scoped3A : memref<!tpu.dma_semaphore, #tpu.memory_space<semaphore_mem>>) src(%dma_wait3A_29 : memref<128xi32, #tpu.memory_space<hbm>>) dst(%arg7 : memref<128xi32, #tpu.memory_space<vmem>>)
        tpu.yield
      }) : () -> ()
      "tpu.region"() ({
        %run_scoped3A = tpu.sem_alloc : memref<!tpu.dma_semaphore, #tpu.memory_space<semaphore_mem>>
        %dma_start3A_26 = tpu.memref_slice %arg4[%add3A_21] : memref<323584xi32, #tpu.memory_space<hbm>> -> memref<128xi32, #tpu.memory_space<hbm>>
        %dma_start3A_27 = tpu.memref_slice %arg4[%add3A_21] : memref<323584xi32, #tpu.memory_space<hbm>> -> memref<128xi32, #tpu.memory_space<hbm>>
        tpu.enqueue_dma source(%dma_start3A_27 : memref<128xi32, #tpu.memory_space<hbm>>) target(%arg8 : memref<128xi32, #tpu.memory_space<vmem>>) target_semaphore(%run_scoped3A : memref<!tpu.dma_semaphore, #tpu.memory_space<semaphore_mem>>)
        %dma_wait3A_28 = tpu.memref_slice %arg4[%add3A_21] : memref<323584xi32, #tpu.memory_space<hbm>> -> memref<128xi32, #tpu.memory_space<hbm>>
        %dma_wait3A_29 = tpu.memref_slice %arg4[%add3A_21] : memref<323584xi32, #tpu.memory_space<hbm>> -> memref<128xi32, #tpu.memory_space<hbm>>
        tpu.wait_dma2 semaphore(%run_scoped3A : memref<!tpu.dma_semaphore, #tpu.memory_space<semaphore_mem>>) src(%dma_wait3A_29 : memref<128xi32, #tpu.memory_space<hbm>>) dst(%arg8 : memref<128xi32, #tpu.memory_space<vmem>>)
        tpu.yield
      }) : () -> ()
      %dma_start3A = arith.constant 0 : i32
      %dma_start3A_22 = arith.constant 0 : i32
      %dma_start3A_23 = tpu.memref_slice %arg2[%dma_start3A, %dma_start3A_22] : memref<10000x128xf32, #tpu.memory_space<hbm>> -> memref<10000x128xf32, #tpu.memory_space<hbm>>
      tpu.enqueue_indirect_dma source(%dma_start3A_23 : memref<10000x128xf32, #tpu.memory_space<hbm>>) target(%arg9 : memref<128x128xf32, #tpu.memory_space<vmem>>) offsets(%arg7 : memref<128xi32, #tpu.memory_space<vmem>>) semaphore(%arg11 : memref<!tpu.dma_semaphore, #tpu.memory_space<semaphore_mem>>)
      %dma_wait3A = arith.constant 0 : i32
      %dma_wait3A_24 = arith.constant 0 : i32
      %dma_wait3A_25 = tpu.memref_slice %arg2[%dma_wait3A, %dma_wait3A_24] : memref<10000x128xf32, #tpu.memory_space<hbm>> -> memref<10000x128xf32, #tpu.memory_space<hbm>>
      tpu.wait_indirect_dma semaphore(%arg11 : memref<!tpu.dma_semaphore, #tpu.memory_space<semaphore_mem>>) src(%dma_wait3A_25 : memref<10000x128xf32, #tpu.memory_space<hbm>>) dst(%arg9 : memref<128x128xf32, #tpu.memory_space<vmem>>)
      "tpu.region"() ({
        %run_scoped3A = tpu.sem_alloc : memref<!tpu.dma_semaphore, #tpu.memory_space<semaphore_mem>>
        %dma_start3A_26 = arith.constant 0 : i32
        %dma_start3A_27 = arith.constant 0 : i32
        %dma_start3A_28 = tpu.memref_slice %arg10[%dma_start3A_26, %dma_start3A_27] : memref<10240x128xf32, #tpu.memory_space<vmem_shared>> -> memref<10240x128xf32, #tpu.memory_space<vmem_shared>>
        tpu.enqueue_indirect_dma source(%arg9 : memref<128x128xf32, #tpu.memory_space<vmem>>) target(%dma_start3A_28 : memref<10240x128xf32, #tpu.memory_space<vmem_shared>>) offsets(%arg8 : memref<128xi32, #tpu.memory_space<vmem>>) semaphore(%run_scoped3A : memref<!tpu.dma_semaphore, #tpu.memory_space<semaphore_mem>>) {add = true}
        %dma_wait3A_29 = arith.constant 0 : i32
        %dma_wait3A_30 = arith.constant 0 : i32
        %dma_wait3A_31 = tpu.memref_slice %arg10[%dma_wait3A_29, %dma_wait3A_30] : memref<10240x128xf32, #tpu.memory_space<vmem_shared>> -> memref<10240x128xf32, #tpu.memory_space<vmem_shared>>
        tpu.wait_indirect_dma semaphore(%run_scoped3A : memref<!tpu.dma_semaphore, #tpu.memory_space<semaphore_mem>>) src(%arg9 : memref<128x128xf32, #tpu.memory_space<vmem>>) dst(%dma_wait3A_31 : memref<10240x128xf32, #tpu.memory_space<vmem_shared>>)
        tpu.yield
      }) : () -> ()
    }
    %scan3A_8 = arith.constant 79 : i32
    %barrier3A_9 = arith.constant 0 : index
    tpu.barrier barrier_id(%barrier3A_9)
    %mul3A_10 = arith.constant 640 : i32
    %mul3A_11 = arith.muli %arg1, %mul3A_10 : i32
    %mul3A_12 = arith.constant 640 : i32
    %mul3A_13 = arith.muli %arg1, %mul3A_12 : i32
    "tpu.region"() ({
      %run_scoped3A = tpu.sem_alloc : memref<!tpu.dma_semaphore, #tpu.memory_space<semaphore_mem>>
      %dma_start3A = arith.constant 0 : i32
      %dma_start3A_14 = tpu.memref_slice %arg6[%arg0, %mul3A_13, %dma_start3A] : memref<2x10240x128xf32, #tpu.memory_space<hbm>> -> memref<1x640x128xf32, #tpu.memory_space<hbm>>
      %dma_start3A_15 = tpu.memref_squeeze %dma_start3A_14 : memref<1x640x128xf32, #tpu.memory_space<hbm>> -> memref<640x128xf32, #tpu.memory_space<hbm>>
      %dma_start3A_16 = arith.constant 0 : i32
      %dma_start3A_17 = tpu.memref_slice %arg10[%mul3A_11, %dma_start3A_16] : memref<10240x128xf32, #tpu.memory_space<vmem_shared>> -> memref<640x128xf32, #tpu.memory_space<vmem_shared>>
      tpu.enqueue_dma source(%dma_start3A_17 : memref<640x128xf32, #tpu.memory_space<vmem_shared>>) target(%dma_start3A_15 : memref<640x128xf32, #tpu.memory_space<hbm>>) target_semaphore(%run_scoped3A : memref<!tpu.dma_semaphore, #tpu.memory_space<semaphore_mem>>)
      %dma_wait3A = arith.constant 0 : i32
      %dma_wait3A_18 = tpu.memref_slice %arg6[%arg0, %mul3A_13, %dma_wait3A] : memref<2x10240x128xf32, #tpu.memory_space<hbm>> -> memref<1x640x128xf32, #tpu.memory_space<hbm>>
      %dma_wait3A_19 = tpu.memref_squeeze %dma_wait3A_18 : memref<1x640x128xf32, #tpu.memory_space<hbm>> -> memref<640x128xf32, #tpu.memory_space<hbm>>
      %dma_wait3A_20 = arith.constant 0 : i32
      %dma_wait3A_21 = tpu.memref_slice %arg10[%mul3A_11, %dma_wait3A_20] : memref<10240x128xf32, #tpu.memory_space<vmem_shared>> -> memref<640x128xf32, #tpu.memory_space<vmem_shared>>
      tpu.wait_dma2 semaphore(%run_scoped3A : memref<!tpu.dma_semaphore, #tpu.memory_space<semaphore_mem>>) src(%dma_wait3A_21 : memref<640x128xf32, #tpu.memory_space<vmem_shared>>) dst(%dma_wait3A_19 : memref<640x128xf32, #tpu.memory_space<hbm>>)
      tpu.yield
    }) : () -> ()
    return
  }
}

module attributes {stable_mosaic.version = 14 : i64} {
  func.func @body(%arg0: i32, %arg1: memref<1000x128xf32, #tpu.memory_space<vmem>>, %arg2: memref<128x128xf32, #tpu.memory_space<vmem>>, %arg3: memref<128x128xf32, #tpu.memory_space<vmem>>, %arg4: memref<1x128xf32, #tpu.memory_space<vmem>>, %arg5: memref<1000x128xf32, #tpu.memory_space<vmem>>, %arg6: memref<1000x128xf32, #tpu.memory_space<vmem>>) attributes {dimension_semantics = [#tpu.dimension_semantics<arbitrary>], iteration_bounds = array<i64: 10>, scalar_prefetch = 0 : i64, scratch_operands = 0 : i64, tpu.core_type = #tpu.core_type<tc>, window_params = [{transform_indices = @transform_0, window_bounds = array<i64: 1000, 128>}, {pipeline_mode = #tpu.pipeline_mode<synchronous>, transform_indices = @transform_1, window_bounds = array<i64: 128, 128>}, {pipeline_mode = #tpu.pipeline_mode<synchronous>, transform_indices = @transform_2, window_bounds = array<i64: 128, 128>}, {pipeline_mode = #tpu.pipeline_mode<synchronous>, transform_indices = @transform_3, window_bounds = array<i64: 1, 128>}, {transform_indices = @transform_4, window_bounds = array<i64: 1000, 128>}, {transform_indices = @transform_5, window_bounds = array<i64: 1000, 128>}]} {
    %get3A = arith.constant 0 : index
    %get3A_0 = arith.constant 0 : index
    %get3A_1 = vector.load %arg1[%get3A, %get3A_0] : memref<1000x128xf32, #tpu.memory_space<vmem>>, vector<1000x128xf32>
    %get3A_2 = arith.constant 0 : index
    %get3A_3 = arith.constant 0 : index
    %get3A_4 = vector.load %arg2[%get3A_2, %get3A_3] : memref<128x128xf32, #tpu.memory_space<vmem>>, vector<128x128xf32>
    %dot_general3A = arith.constant dense<0.000000e+00> : vector<1000x128xf32>
    %dot_general3A_5 = tpu.matmul %get3A_1, %get3A_4, %dot_general3A {dimension_numbers = #tpu.dot_dimension_numbers<[1], [0], [0], [1], [0, 0, 1, 1], [], []>, transpose_lhs_hint = false} : vector<1000x128xf32>, vector<128x128xf32>, vector<1000x128xf32> -> vector<1000x128xf32>
    %swap3A = arith.constant 0 : index
    %swap3A_6 = arith.constant 0 : index
    %swap3A_7 = vector.load %arg5[%swap3A, %swap3A_6] : memref<1000x128xf32, #tpu.memory_space<vmem>>, vector<1000x128xf32>
    tpu.vector_store %arg5[%swap3A, %swap3A_6], %dot_general3A_5 {strides = array<i32>} : memref<1000x128xf32, #tpu.memory_space<vmem>>, vector<1000x128xf32>,
    %get3A_8 = arith.constant 0 : index
    %get3A_9 = arith.constant 0 : index
    %get3A_10 = vector.load %arg3[%get3A_8, %get3A_9] : memref<128x128xf32, #tpu.memory_space<vmem>>, vector<128x128xf32>
    %dot_general3A_11 = arith.constant dense<0.000000e+00> : vector<1000x128xf32>
    %dot_general3A_12 = tpu.matmul %get3A_1, %get3A_10, %dot_general3A_11 {dimension_numbers = #tpu.dot_dimension_numbers<[1], [0], [0], [1], [0, 0, 1, 1], [], []>, transpose_lhs_hint = false} : vector<1000x128xf32>, vector<128x128xf32>, vector<1000x128xf32> -> vector<1000x128xf32>
    %get3A_13 = arith.constant 0 : index
    %get3A_14 = arith.constant 0 : index
    %get3A_15 = vector.load %arg4[%get3A_13, %get3A_14] : memref<1x128xf32, #tpu.memory_space<vmem>>, vector<1x128xf32>
    %add3A = vector.broadcast %get3A_15 : vector<1x128xf32> to vector<1000x128xf32>
    %add3A_16 = arith.addf %dot_general3A_12, %add3A : vector<1000x128xf32>
    %max3A = arith.constant 0.000000e+00 : f32
    %max3A_17 = vector.broadcast %max3A : f32 to vector<1000x128xf32>
    %max3A_18 = arith.maximumf %add3A_16, %max3A_17 : vector<1000x128xf32>
    %swap3A_19 = arith.constant 0 : index
    %swap3A_20 = arith.constant 0 : index
    %swap3A_21 = vector.load %arg6[%swap3A_19, %swap3A_20] : memref<1000x128xf32, #tpu.memory_space<vmem>>, vector<1000x128xf32>
    tpu.vector_store %arg6[%swap3A_19, %swap3A_20], %max3A_18 {strides = array<i32>} : memref<1000x128xf32, #tpu.memory_space<vmem>>, vector<1000x128xf32>,
    return
  }
  func.func @transform_0(%arg0: i32) -> (i32, i32) {
    %c0_i32 = arith.constant 0 : i32
    %c0_i32_0 = arith.constant 0 : i32
    return %arg0, %c0_i32 : i32, i32
  }
  func.func @transform_1(%arg0: i32) -> (i32, i32) {
    %c0_i32 = arith.constant 0 : i32
    %c0_i32_0 = arith.constant 0 : i32
    %c0_i32_1 = arith.constant 0 : i32
    return %c0_i32, %c0_i32_0 : i32, i32
  }
  func.func @transform_2(%arg0: i32) -> (i32, i32) {
    %c0_i32 = arith.constant 0 : i32
    %c0_i32_0 = arith.constant 0 : i32
    %c0_i32_1 = arith.constant 0 : i32
    return %c0_i32, %c0_i32_0 : i32, i32
  }
  func.func @transform_3(%arg0: i32) -> (i32, i32) {
    %c0_i32 = arith.constant 0 : i32
    %c0_i32_0 = arith.constant 0 : i32
    %c0_i32_1 = arith.constant 0 : i32
    return %c0_i32, %c0_i32_0 : i32, i32
  }
  func.func @transform_4(%arg0: i32) -> (i32, i32) {
    %c0_i32 = arith.constant 0 : i32
    %c0_i32_0 = arith.constant 0 : i32
    return %arg0, %c0_i32 : i32, i32
  }
  func.func @transform_5(%arg0: i32) -> (i32, i32) {
    %c0_i32 = arith.constant 0 : i32
    %c0_i32_0 = arith.constant 0 : i32
    return %arg0, %c0_i32 : i32, i32
  }
}

module attributes {stable_mosaic.version = 14 : i64} {
  func.func @body(%arg0: i32, %arg1: memref<2x1000x128xf32, #tpu.memory_space<vmem>>, %arg2: memref<1x128xf32, #tpu.memory_space<vmem>>, %arg3: memref<1000x128xf32, #tpu.memory_space<vmem>>, %arg4: memref<128x128xf32, #tpu.memory_space<vmem>>, %arg5: memref<128x128xf32, #tpu.memory_space<vmem>>, %arg6: memref<1x128xf32, #tpu.memory_space<vmem>>, %arg7: memref<1000x128xf32, #tpu.memory_space<vmem>>, %arg8: memref<1000x128xf32, #tpu.memory_space<vmem>>) attributes {dimension_semantics = [#tpu.dimension_semantics<arbitrary>], iteration_bounds = array<i64: 10>, scalar_prefetch = 0 : i64, scratch_operands = 0 : i64, tpu.core_type = #tpu.core_type<tc>, window_params = [{transform_indices = @transform_0, window_bounds = array<i64: 2, 1000, 128>}, {pipeline_mode = #tpu.pipeline_mode<synchronous>, transform_indices = @transform_1, window_bounds = array<i64: 1, 128>}, {transform_indices = @transform_2, window_bounds = array<i64: 1000, 128>}, {pipeline_mode = #tpu.pipeline_mode<synchronous>, transform_indices = @transform_3, window_bounds = array<i64: 128, 128>}, {pipeline_mode = #tpu.pipeline_mode<synchronous>, transform_indices = @transform_4, window_bounds = array<i64: 128, 128>}, {pipeline_mode = #tpu.pipeline_mode<synchronous>, transform_indices = @transform_5, window_bounds = array<i64: 1, 128>}, {transform_indices = @transform_6, window_bounds = array<i64: 1000, 128>}, {transform_indices = @transform_7, window_bounds = array<i64: 1000, 128>}]} {
    %get3A = arith.constant 0 : index
    %get3A_0 = arith.constant 0 : index
    %get3A_1 = arith.constant 0 : index
    %get3A_2 = vector.load %arg1[%get3A, %get3A_0, %get3A_1] : memref<2x1000x128xf32, #tpu.memory_space<vmem>>, vector<1x1000x128xf32>
    %get3A_3 = vector.shape_cast %get3A_2 : vector<1x1000x128xf32> to vector<1000x128xf32>
    %get3A_4 = arith.constant 1 : index
    %get3A_5 = arith.constant 0 : index
    %get3A_6 = arith.constant 0 : index
    %get3A_7 = vector.load %arg1[%get3A_4, %get3A_5, %get3A_6] : memref<2x1000x128xf32, #tpu.memory_space<vmem>>, vector<1x1000x128xf32>
    %get3A_8 = vector.shape_cast %get3A_7 : vector<1x1000x128xf32> to vector<1000x128xf32>
    %add3A = arith.addf %get3A_3, %get3A_8 : vector<1000x128xf32>
    %get3A_9 = arith.constant 0 : index
    %get3A_10 = arith.constant 0 : index
    %get3A_11 = vector.load %arg2[%get3A_9, %get3A_10] : memref<1x128xf32, #tpu.memory_space<vmem>>, vector<1x128xf32>
    %add3A_12 = vector.broadcast %get3A_11 : vector<1x128xf32> to vector<1000x128xf32>
    %add3A_13 = arith.addf %add3A, %add3A_12 : vector<1000x128xf32>
    %max3A = arith.constant 0.000000e+00 : f32
    %max3A_14 = vector.broadcast %max3A : f32 to vector<1000x128xf32>
    %max3A_15 = arith.maximumf %add3A_13, %max3A_14 : vector<1000x128xf32>
    %get3A_16 = arith.constant 0 : index
    %get3A_17 = arith.constant 0 : index
    %get3A_18 = vector.load %arg3[%get3A_16, %get3A_17] : memref<1000x128xf32, #tpu.memory_space<vmem>>, vector<1000x128xf32>
    %add3A_19 = arith.addf %max3A_15, %get3A_18 : vector<1000x128xf32>
    %get3A_20 = arith.constant 0 : index
    %get3A_21 = arith.constant 0 : index
    %get3A_22 = vector.load %arg4[%get3A_20, %get3A_21] : memref<128x128xf32, #tpu.memory_space<vmem>>, vector<128x128xf32>
    %dot_general3A = arith.constant dense<0.000000e+00> : vector<1000x128xf32>
    %dot_general3A_23 = tpu.matmul %add3A_19, %get3A_22, %dot_general3A {dimension_numbers = #tpu.dot_dimension_numbers<[1], [0], [0], [1], [0, 0, 1, 1], [], []>, transpose_lhs_hint = false} : vector<1000x128xf32>, vector<128x128xf32>, vector<1000x128xf32> -> vector<1000x128xf32>
    %swap3A = arith.constant 0 : index
    %swap3A_24 = arith.constant 0 : index
    %swap3A_25 = vector.load %arg7[%swap3A, %swap3A_24] : memref<1000x128xf32, #tpu.memory_space<vmem>>, vector<1000x128xf32>
    tpu.vector_store %arg7[%swap3A, %swap3A_24], %dot_general3A_23 {strides = array<i32>} : memref<1000x128xf32, #tpu.memory_space<vmem>>, vector<1000x128xf32>,
    %get3A_26 = arith.constant 0 : index
    %get3A_27 = arith.constant 0 : index
    %get3A_28 = vector.load %arg5[%get3A_26, %get3A_27] : memref<128x128xf32, #tpu.memory_space<vmem>>, vector<128x128xf32>
    %dot_general3A_29 = arith.constant dense<0.000000e+00> : vector<1000x128xf32>
    %dot_general3A_30 = tpu.matmul %add3A_19, %get3A_28, %dot_general3A_29 {dimension_numbers = #tpu.dot_dimension_numbers<[1], [0], [0], [1], [0, 0, 1, 1], [], []>, transpose_lhs_hint = false} : vector<1000x128xf32>, vector<128x128xf32>, vector<1000x128xf32> -> vector<1000x128xf32>
    %get3A_31 = arith.constant 0 : index
    %get3A_32 = arith.constant 0 : index
    %get3A_33 = vector.load %arg6[%get3A_31, %get3A_32] : memref<1x128xf32, #tpu.memory_space<vmem>>, vector<1x128xf32>
    %add3A_34 = vector.broadcast %get3A_33 : vector<1x128xf32> to vector<1000x128xf32>
    %add3A_35 = arith.addf %dot_general3A_30, %add3A_34 : vector<1000x128xf32>
    %max3A_36 = arith.constant 0.000000e+00 : f32
    %max3A_37 = vector.broadcast %max3A_36 : f32 to vector<1000x128xf32>
    %max3A_38 = arith.maximumf %add3A_35, %max3A_37 : vector<1000x128xf32>
    %swap3A_39 = arith.constant 0 : index
    %swap3A_40 = arith.constant 0 : index
    %swap3A_41 = vector.load %arg8[%swap3A_39, %swap3A_40] : memref<1000x128xf32, #tpu.memory_space<vmem>>, vector<1000x128xf32>
    tpu.vector_store %arg8[%swap3A_39, %swap3A_40], %max3A_38 {strides = array<i32>} : memref<1000x128xf32, #tpu.memory_space<vmem>>, vector<1000x128xf32>,
    return
  }
  func.func @transform_0(%arg0: i32) -> (i32, i32, i32) {
    %c0_i32 = arith.constant 0 : i32
    %c0_i32_0 = arith.constant 0 : i32
    %c0_i32_1 = arith.constant 0 : i32
    return %c0_i32, %arg0, %c0_i32_0 : i32, i32, i32
  }
  func.func @transform_1(%arg0: i32) -> (i32, i32) {
    %c0_i32 = arith.constant 0 : i32
    %c0_i32_0 = arith.constant 0 : i32
    %c0_i32_1 = arith.constant 0 : i32
    return %c0_i32, %c0_i32_0 : i32, i32
  }
  func.func @transform_2(%arg0: i32) -> (i32, i32) {
    %c0_i32 = arith.constant 0 : i32
    %c0_i32_0 = arith.constant 0 : i32
    return %arg0, %c0_i32 : i32, i32
  }
  func.func @transform_3(%arg0: i32) -> (i32, i32) {
    %c0_i32 = arith.constant 0 : i32
    %c0_i32_0 = arith.constant 0 : i32
    %c0_i32_1 = arith.constant 0 : i32
    return %c0_i32, %c0_i32_0 : i32, i32
  }
  func.func @transform_4(%arg0: i32) -> (i32, i32) {
    %c0_i32 = arith.constant 0 : i32
    %c0_i32_0 = arith.constant 0 : i32
    %c0_i32_1 = arith.constant 0 : i32
    return %c0_i32, %c0_i32_0 : i32, i32
  }
  func.func @transform_5(%arg0: i32) -> (i32, i32) {
    %c0_i32 = arith.constant 0 : i32
    %c0_i32_0 = arith.constant 0 : i32
    %c0_i32_1 = arith.constant 0 : i32
    return %c0_i32, %c0_i32_0 : i32, i32
  }
  func.func @transform_6(%arg0: i32) -> (i32, i32) {
    %c0_i32 = arith.constant 0 : i32
    %c0_i32_0 = arith.constant 0 : i32
    return %arg0, %c0_i32 : i32, i32
  }
  func.func @transform_7(%arg0: i32) -> (i32, i32) {
    %c0_i32 = arith.constant 0 : i32
    %c0_i32_0 = arith.constant 0 : i32
    return %arg0, %c0_i32 : i32, i32
  }
}

module attributes {stable_mosaic.version = 14 : i64} {
  func.func @body(%arg0: i32, %arg1: memref<2x1000x128xf32, #tpu.memory_space<vmem>>, %arg2: memref<1x128xf32, #tpu.memory_space<vmem>>, %arg3: memref<1000x128xf32, #tpu.memory_space<vmem>>, %arg4: memref<1000x128xf32, #tpu.memory_space<vmem>>) attributes {dimension_semantics = [#tpu.dimension_semantics<arbitrary>], iteration_bounds = array<i64: 10>, scalar_prefetch = 0 : i64, scratch_operands = 0 : i64, tpu.core_type = #tpu.core_type<tc>, window_params = [{transform_indices = @transform_0, window_bounds = array<i64: 2, 1000, 128>}, {pipeline_mode = #tpu.pipeline_mode<synchronous>, transform_indices = @transform_1, window_bounds = array<i64: 1, 128>}, {transform_indices = @transform_2, window_bounds = array<i64: 1000, 128>}, {transform_indices = @transform_3, window_bounds = array<i64: 1000, 128>}]} {
    %get3A = arith.constant 0 : index
    %get3A_0 = arith.constant 0 : index
    %get3A_1 = arith.constant 0 : index
    %get3A_2 = vector.load %arg1[%get3A, %get3A_0, %get3A_1] : memref<2x1000x128xf32, #tpu.memory_space<vmem>>, vector<1x1000x128xf32>
    %get3A_3 = vector.shape_cast %get3A_2 : vector<1x1000x128xf32> to vector<1000x128xf32>
    %get3A_4 = arith.constant 1 : index
    %get3A_5 = arith.constant 0 : index
    %get3A_6 = arith.constant 0 : index
    %get3A_7 = vector.load %arg1[%get3A_4, %get3A_5, %get3A_6] : memref<2x1000x128xf32, #tpu.memory_space<vmem>>, vector<1x1000x128xf32>
    %get3A_8 = vector.shape_cast %get3A_7 : vector<1x1000x128xf32> to vector<1000x128xf32>
    %add3A = arith.addf %get3A_3, %get3A_8 : vector<1000x128xf32>
    %get3A_9 = arith.constant 0 : index
    %get3A_10 = arith.constant 0 : index
    %get3A_11 = vector.load %arg2[%get3A_9, %get3A_10] : memref<1x128xf32, #tpu.memory_space<vmem>>, vector<1x128xf32>
    %add3A_12 = vector.broadcast %get3A_11 : vector<1x128xf32> to vector<1000x128xf32>
    %add3A_13 = arith.addf %add3A, %add3A_12 : vector<1000x128xf32>
    %max3A = arith.constant 0.000000e+00 : f32
    %max3A_14 = vector.broadcast %max3A : f32 to vector<1000x128xf32>
    %max3A_15 = arith.maximumf %add3A_13, %max3A_14 : vector<1000x128xf32>
    %get3A_16 = arith.constant 0 : index
    %get3A_17 = arith.constant 0 : index
    %get3A_18 = vector.load %arg3[%get3A_16, %get3A_17] : memref<1000x128xf32, #tpu.memory_space<vmem>>, vector<1000x128xf32>
    %add3A_19 = arith.addf %max3A_15, %get3A_18 : vector<1000x128xf32>
    %swap3A = arith.constant 0 : index
    %swap3A_20 = arith.constant 0 : index
    %swap3A_21 = vector.load %arg4[%swap3A, %swap3A_20] : memref<1000x128xf32, #tpu.memory_space<vmem>>, vector<1000x128xf32>
    tpu.vector_store %arg4[%swap3A, %swap3A_20], %add3A_19 {strides = array<i32>} : memref<1000x128xf32, #tpu.memory_space<vmem>>, vector<1000x128xf32>,
    return
  }
  func.func @transform_0(%arg0: i32) -> (i32, i32, i32) {
    %c0_i32 = arith.constant 0 : i32
    %c0_i32_0 = arith.constant 0 : i32
    %c0_i32_1 = arith.constant 0 : i32
    return %c0_i32, %arg0, %c0_i32_0 : i32, i32, i32
  }
  func.func @transform_1(%arg0: i32) -> (i32, i32) {
    %c0_i32 = arith.constant 0 : i32
    %c0_i32_0 = arith.constant 0 : i32
    %c0_i32_1 = arith.constant 0 : i32
    return %c0_i32, %c0_i32_0 : i32, i32
  }
  func.func @transform_2(%arg0: i32) -> (i32, i32) {
    %c0_i32 = arith.constant 0 : i32
    %c0_i32_0 = arith.constant 0 : i32
    return %arg0, %c0_i32 : i32, i32
  }
  func.func @transform_3(%arg0: i32) -> (i32, i32) {
    %c0_i32 = arith.constant 0 : i32
    %c0_i32_0 = arith.constant 0 : i32
    return %arg0, %c0_i32 : i32, i32
  }
}

</mosaic_0001>

<sc_bundles>
// kernel: kernel.10.cloned.1.call-start
scs
__scs_entry_jumppad:
0x0: {  	(pc) =	sbr.rel $0x88, $3  }
0x1: {  	(tag) =	ssettag $0x0;
	lr =	simm.s32 $0x1  }
0x2: {  	[smem:$0x3F97] =	sst lr;
	_ =	strace $0xD0000000  }
0x3: {  	_ = 	snop  }
0x4: {  	_ = 	snop  }
0x5: {  	_ = 	snop  }
0x6: {  	_ = 	snop  }
0x7: {  	_ = 	snop  }
__scs_overlays_trampoline_lowered:
0x8: {  	[smem:$0x3FA6] =	sst s0  }
0x9: {  	[smem:$0x3FA7] =	sst s1  }
0xa: {  	[smem:$0x3FA8] =	sst s2  }
0xb: {  	[smem:$0x3FA9] =	sst s3  }
0xc: {  	[smem:$0x3FAA] =	sst s4  }
0xd: {  	[smem:$0x3FAB] =	sst s5  }
0xe: {  	[smem:$0x3FAC] =	sst s6  }
0xf: {  	[smem:$0x3FAD] =	sst s7  }
0x10: {  	[smem:$0x3FAE] =	sst s8  }
0x11: {  	[smem:$0x3FAF] =	sst s9;
	s0 =	simm.s32 @!p0 $0x0  }
0x12: {  	s1 =	sld [smem:$0x3F95];
	s0 =	simm.s32 @p0 $0x1  }
0x13: {  	[smem:$0x3FB0] =	sst s0;
	s0 =	simm.s32 @!p1 $0x0  }
0x14: {  	s2 =	sld [smem:$0x3F94];
	s0 =	simm.s32 @p1 $0x1  }
0x15: {  	[smem:$0x3FB1] =	sst s0;
	s0 =	simm.s32 @!p2 $0x0  }
0x16: {  	s3 =	sld [smem:$0x3FDB];
	s0 =	simm.s32 @p2 $0x1  }
0x17: {  	s4 =	simm.s32 $0x1BF5;
	[smem:$0x3FB3] =	sst s0  }
0x18: {  	s0 =	sld [smem:$0x3F96];
	_ =	swait.ge [sflag:s4], $0x0  }
0x19: {  	s7 =	sld [smem:$0x3F97]  }
0x1a: {  	s8 =	sadd.s32 $0xFFFFE003, lr  }
0x1b: {  	s9 =	sadd.s32 $0xFFFFFEF7, lr;
	s5 =	simm.s32 $0xFFFFFFFF;
	p2 =	slt.u32 s8, $0xFFFFF086  }
0x1c: {  	p1 =	slt.u32 s9, $0xF7A;
	s5 =	simm.s32 @!p2 $0x0  }
0x1d: {  	s5 =	simm.s32 @p1 $0x1;
	p0 =	seq.s32 s7, s2  }
0x1e: {  	s7 =	smul.u32 @!p0 $0xF7A, s2;
	p2 =	seq.s32 @!p0 s5, $0x0  }
0x1f: {  	s9 =	smul.u32 $0xF7A, s1;
	s8 =	simm.s32 @!p0 $0x1BF5;
	p2 =	por !p2, p0  }
0x20: {  	[sflag:s8] =	ssyncset.s32 @!p0 $0xFFFFF086;
	s6 =	sadd.s32 @!p0 s3, s7;
	s7 =	simm.s32 @!p0 $0x108  }
0x21: {  	s3 =	sadd.s32 s3, s9;
	s6 =	sadd.s32 @!p0 $0x88, s6;
	s7 =	simm.s32 @p2 $0x1082  }
0x22: {  	[simem:s7], [sflag:s8] =	dma.local @!p0 [hbm:s6], $0xF7A  }
0x23: {  	s9 =	sor.u32 $0xD0000000, s2;
	s6 =	simm.s32 $0x108;
	_ =	swait.ge @!p0 [sflag:s8], $0x0  }
0x24: {  	s3 =	sadd.s32 $0x88, s3;
	s6 =	simm.s32 @!p1 $0x1082;
	[sflag:s4] =	ssyncset.s32 $0xFFFFF086  }
0x25: {  	[simem:s6], [sflag:s4] =	dma.local [hbm:s3], $0xF7A  }
0x26: {  	[smem:$0x3F97] =	sst s1;
	(tag) =	ssettag s2;
	_ =	strace s9  }
0x27: {  	s1 =	sld [smem:$0x3FA7]  }
0x28: {  	s2 =	sld [smem:$0x3FA8]  }
0x29: {  	s4 =	sld [smem:$0x3FAA]  }
0x2a: {  	p0 =	seq.s32 s5, $0x0;
	s5 =	sld [smem:$0x3FAB]  }
0x2b: {  	s6 =	sld [smem:$0x3FAC]  }
0x2c: {  	s7 =	sld [smem:$0x3FAD]  }
0x2d: {  	s3 =	simm.s32 $0x108;
	s8 =	sld [smem:$0x3FAE]  }
0x2e: {  	s3 =	simm.s32 @!p0 $0x1082;
	s9 =	sld [smem:$0x3FAF]  }
0x2f: {  	lr =	sadd.s32 s0, s3;
	s0 =	sld [smem:$0x3FA6]  }
0x30: {  	s3 =	sld [smem:$0x3FA9]  }
0x31: {  	[smem:$0x3FB2] =	sst s10  }
0x32: {  	s10 =	sld [smem:$0x3FB0];
	_ =	sdelay $0x3  }
0x33: {  	p0 =	seq.s32 s10, $0x1;
	s10 =	sld [smem:$0x3FB2];
	_ =	sdelay $0x3  }
0x34: {  	[smem:$0x3FB2] =	sst s10  }
0x35: {  	s10 =	sld [smem:$0x3FB1];
	_ =	sdelay $0x3  }
0x36: {  	p1 =	seq.s32 s10, $0x1;
	s10 =	sld [smem:$0x3FB2];
	_ =	sdelay $0x3  }
0x37: {  	[smem:$0x3FB2] =	sst s10  }
0x38: {  	s10 =	sld [smem:$0x3FB3]  }
0x39: {  	_ = 	snop;
	(pc) =	sbr.ind lr, $3  }
0x3a: {  	_ = 	snop  }
0x3b: {  	_ = 	snop  }
0x3c: {  	p2 =	seq.s32 s10, $0x1;
	s10 =	sld [smem:$0x3FB2]  }
0x3d: {  	_ =	shalt  }
0x3e: {  	_ =	shalt  }
0x3f: {  	_ =	shalt  }
0x40: {  	_ =	shalt  }
0x41: {  	_ =	shalt  }
0x42: {  	_ =	shalt  }
0x43: {  	_ =	shalt  }
0x44: {  	_ =	shalt  }
0x45: {  	_ =	shalt  }
0x46: {  	_ =	shalt  }
0x47: {  	_ =	shalt  }
0x48: {  	_ =	shalt  }
0x49: {  	_ =	shalt  }
0x4a: {  	_ =	shalt  }
0x4b: {  	_ =	shalt  }
0x4c: {  	_ =	shalt  }
0x4d: {  	_ =	shalt  }
0x4e: {  	_ =	shalt  }
0x4f: {  	_ =	shalt  }
0x50: {  	_ =	shalt  }
0x51: {  	_ =	shalt  }
0x52: {  	_ =	shalt  }
0x53: {  	_ =	shalt  }
0x54: {  	_ =	shalt  }
0x55: {  	_ =	shalt  }
0x56: {  	_ =	shalt  }
0x57: {  	_ =	shalt  }
0x58: {  	_ =	shalt  }
0x59: {  	_ =	shalt  }
0x5a: {  	_ =	shalt  }
0x5b: {  	_ =	shalt  }
0x5c: {  	_ =	shalt  }
0x5d: {  	_ =	shalt  }
0x5e: {  	_ =	shalt  }
0x5f: {  	_ =	shalt  }
0x60: {  	_ =	shalt  }
0x61: {  	_ =	shalt  }
0x62: {  	_ =	shalt  }
0x63: {  	_ =	shalt  }
0x64: {  	_ =	shalt  }
0x65: {  	_ =	shalt  }
0x66: {  	_ =	shalt  }
0x67: {  	_ =	shalt  }
0x68: {  	_ =	shalt  }
0x69: {  	_ =	shalt  }
0x6a: {  	_ =	shalt  }
0x6b: {  	_ =	shalt  }
0x6c: {  	_ =	shalt  }
0x6d: {  	_ =	shalt  }
0x6e: {  	_ =	shalt  }
0x6f: {  	_ =	shalt  }
0x70: {  	_ =	shalt  }
0x71: {  	_ =	shalt  }
0x72: {  	_ =	shalt  }
0x73: {  	_ =	shalt  }
0x74: {  	_ =	shalt  }
0x75: {  	_ =	shalt  }
0x76: {  	_ =	shalt  }
0x77: {  	_ =	shalt  }
0x78: {  	_ =	shalt  }
0x79: {  	_ =	shalt  }
0x7a: {  	_ =	shalt  }
0x7b: {  	_ =	shalt  }
0x7c: {  	_ =	shalt  }
0x7d: {  	_ =	shalt  }
0x7e: {  	_ =	shalt  }
0x7f: {  	_ =	shalt  }
0x80: {  	_ =	shalt  }
0x81: {  	_ =	shalt  }
0x82: {  	_ =	shalt  }
0x83: {  	_ =	shalt  }
0x84: {  	_ =	shalt  }
0x85: {  	_ =	shalt  }
0x86: {  	_ =	shalt  }
0x87: {  	_ =	shalt  }
.Lfunc_end0:
.L_simem_size_0:
called_computation.1_lowered:
.L_overlay_start_0:
0x88: {  	s2 =	sld [smem:$0x3FD9]  }
0x89: {  	s3 =	sld [smem:$0x3FFE];
	_ =	sdelay $0x1  }
0x8a: {  	s1 =	srdreg.scid  }
0x8b: {  	s0 =	sand.u32 $0x1, s1  }
0x8c: {  	s17 =	sshll.u32 s0, $0xA;
	s2 =	sadd.s32 s3, s2  }
0x8d: {  	s2 =	sadd.s32 s2, s17  }
0x8e: {  	[smem:$0x3FBE] =	sst s2  }
0x8f: {  	_ = 	snop  }
0x90: {  	s2 =	sld [smem:$0x3FD0];
	(tm) =	ssettm $0x1  }
0x91: {  	s18 =	sld [smem:$0x3FFB];
	_ =	sdelay $0x3  }
0x92: {  	_ =	strace s18  }
0x93: {  	s3 =	sld [smem:$0x3FFC];
	_ =	sdelay $0x3  }
0x94: {  	_ =	strace s3  }
0x95: {  	s3 =	sld [smem:$0x3FFD];
	_ =	sdelay $0x3  }
0x96: {  	_ =	strace s3  }
0x97: {  	_ =	strace $0x8FFFFFFF  }
0x98: {  	s19 =	sld [smem:$0x3FDB];
	_ =	sdelay $0x1  }
0x99: {  	s4 =	simm.s32 $_scs_section_size  }
0x9a: {  	s5 =	simm.s32 $_size__tile_overlayer_lowered;
	s6 =	simm.s32 $_tile_overlayer_lowered  }
0x9b: {  	s22 =	simm.s32 $0x1BFF;
	s21 =	sshll.u32 s6, $0x1;
	s3 =	sadd.s32 s4, s19  }
0x9c: {  	s7 =	simm.s32 $0x0;
	s20 =	sshll.u32 s5, $0x1;
	s5 =	sadd.s32 s21, s3  }
0x9d: {  	[timem:s7], [sflag:s22] =	dma.local [hbm:s5], s20  }
0x9e: {  	_ =	swait.ge [sflag:s22], s20  }
0x9f: {  	s4 =	ssub.s32 $0x0, s20;
	[sflag:s22] =	ssyncset.done $0x0  }
0xa0: {  	[sflag:s22] =	ssyncadd.s32 s4;
	_ =	sdelay $0x1  }
0xa1: {  	s23 =	simm.s32 $0x1B8B  }
0xa2: {  	_ =	swait.ge [sflag:s23], $0x1  }
0xa3: {  	[sflag:s23] =	ssyncset.done $0x0  }
0xa4: {  	s25 =	simm.s32 $0x1B8E;
	s24 =	sld [smem:$0x3FFE];
	[sflag:s23] =	ssyncadd.s32 $0xFFFFFFFF  }
0xa5: {  	s26 =	simm.s32 $execute0_lowered;
	[smem:$0x3FD2] =	sst s25  }
0xa6: {  	s5 =	sshll.u32 s26, $0x1;
	_ =	strace $0x80000049;
	[dreg:$0x1] =	wrdreg $0xFFFFFFFF  }
0xa7: {  	s28 =	simm.s32 $_size_execute0_lowered;
	s3 =	sadd.s32 s3, s5;
	[dreg:$0x0] =	wrdreg $0x0  }
0xa8: {  	s5 =	sshll.u32 s28, $0x1;
	[dreg:$0x2] =	wrdreg s3  }
0xa9: {  	[dreg:$0x3] =	wrdreg s5  }
0xaa: {  	[dreg:$0x4] =	wrdreg $0xC0  }
0xab: {  	_ =	task [dreg:s7], $0x5FFFF  }
0xac: {  	[dreg:$0x1] =	wrdreg $0xFFFFFFFF  }
0xad: {  	[dreg:$0x0] =	wrdreg $0x60  }
0xae: {  	[dreg:$0x2] =	wrdreg s2  }
0xaf: {  	[dreg:$0x3] =	wrdreg s24  }
0xb0: {  	[dreg:$0x4] =	wrdreg $0x41000  }
0xb1: {  	[dreg:$0x5] =	wrdreg $0x9  }
0xb2: {  	_ =	task.clear_ibuf [dreg:s7], $0x6FFFF;
	_ =	strace $0x90000049  }
0xb3: {  	s29 =	simm.s32 $0x9;
	_ =	strace $0x8000004B  }
0xb4: {  	_ =	swait.ge [sflag:s29], $0x1  }
0xb5: {  	[sflag:s29] =	ssyncadd.s32 $0xFFFFFFFF  }
0xb6: {  	_ =	strace $0x9000004B  }
0xb7: {  	_ =	sfence  }
0xb8: {  	s30 =	sld [smem:$0x0];
	_ =	sdelay $0x2  }
0xb9: {  	s31 =	sshll.u32 s1, $0xD;
	s1 =	sshrl.u32 s1, $0x2  }
0xba: {  	s3 =	sand.u32 $0x4000, s31;
	s1 =	sadd.s32 s1, s30  }
0xbb: {  	s0 =	sor.u32 s3, s0;
	s1 =	sshll.u32 s1, $0x11  }
0xbc: {  	s0 =	sor.u32 s1, s0  }
0xbd: {  	s0 =	sadd.s32 $0x8F2B, s0  }
0xbe: {  	[sflag:s0] =	ssyncadd.remote.s32 $0x1  }
0xbf: {  	_ =	sfence.sel $0xFFFF  }
0xc0: {  	[dreg:$0x0] =	wrdreg $0xFFFFFFFF;
	(pc) =	sbr.abs _section_cstart, $3  }
0xc1: {  	[dreg:$0x1] =	wrdreg $0xFFFFFFFF  }
0xc2: {  	_ =	task.clear_ibuf [dreg:s7], $0x2FFFF;
	_ =	strace $0x9FFFFFFF  }
0xc3: {  	(tm) =	ssettm $0x7FFFFFFF  }
tec
execute0_lowered:
.L_overlay_start_1:
0x0: {  	(tag) =	ssettag $0x1  }
0x1: {  	s0 =	rddreg [dreg:$0x0]  }
0x2: {  	s6 =	rddreg [dreg:$0x1];
	s1 =	srdreg.scid  }
0x3: {  	s3 =	rddreg [dreg:$0x2];
	s2 =	stileid.u32  }
0x4: {  	s4 =	simm.s32 $0x0;
	s14 =	simm.s32 $0x100;
	s8 =	smul.u32 $0x14000, s2  }
0x5: {  	s15 =	simm.s32 $0x1;
	s16 =	simm.s32 $0x0;
	s9 =	smul.u32 $0x9E0, s2  }
0x6: {  	s7 =	sand.u32 $0x1, s1;
	s1 =	rddreg [dreg:$0x3];
	s10 =	smul.u32 $0x50000, s2  }
0x7: {  	[smem:$0x7FF] =	sst s4;
	s30 =	sshll.u32 s2, $0x6;
	s5 =	smul.u32 $0x140000, s7  }
0x8: {  	_ =	strace $0x8000004A;
	s29 =	ssub.s32 $0x2, s7;
	s12 =	smul.u32 $0x4F0, s7  }
0x9: {  	s26 =	sadd.s32 s9, s6;
	s11 =	sshrl.u32 s29, $0x1;
	s10 =	sshrl.u32 s10, $0x2  }
0xa: {  	s5 =	sadd.s32 s8, s5;
	s11 =	ssub.s32 s29, s11;
	s13 =	sadd.s32 s10, s3  }
0xb: {  	s31 =	sadd.s32 s12, s26;
	s12 =	simm.s32 $0x2;
	s28 =	sshrl.u32 s5, $0x3  }
0xc: {  	s5 =	sadd.s32 $0x15800, s6;
	s8 =	smax.u32 s11, $0x1;
	s10 =	sadd.s32 $0xBA00, s31  }
0xd: {  	s11 =	sshrl.u32 s13, $0x3;
	s13 =	simm.s32 $0x80;
	s9 =	sadd.s32 s28, s6  }
0xe: {  	s6 =	sor.u32 $0x1C02, s30;
	s7 =	sadd.s32 $0x18000, s9;
	s9 =	sadd.s32 $0x1C00, s31  }
.LBB2_1:
0xf: {  	[spmem:s11], [sflag:s6] =	dma.local [hbm:s5], $0x2800  }
0x10: {  	_ =	swait.ge [sflag:s12], $0x2800  }
0x11: {  	[sflag:s12] =	ssyncset.done $0x0  }
0x12: {  	[sflag:s12] =	ssyncadd.s32 $0xFFFFD800  }
0x13: {  	s17 =	sadd.s32 $0x0, s10;
	[bflag:$0x0] =	sbarrier.arrive $0xFFFF  }
0x14: {  	[tilespmem:s4], [sflag:$0x2] =	stream.linear.gather [hbm4b:s17+s4], $0x80, $0x38;
	[tilespmem:$0x18100] =	vst v63  }
0x15: {  	_ =	swait.ge [sflag:s12], $0x80  }
0x16: {  	[sflag:s12] =	ssyncset.done $0x0  }
0x17: {  	s31 =	sadd.s32 $0x0, s9;
	[sflag:s12] =	ssyncadd.s32 $0xFFFFFF80  }
0x18: {  	[tilespmem:s13], [sflag:$0x2] =	stream.linear.gather [hbm4b:s31+s4], $0x80, $0x38;
	[tilespmem:$0x18100] =	vst v63  }
0x19: {  	_ =	swait.ge [sflag:s12], $0x80  }
0x1a: {  	[sflag:s12] =	ssyncset.done $0x0  }
0x1b: {  	[sflag:s12] =	ssyncadd.s32 $0xFFFFFF80  }
0x1c: {  	[tilespmem:s14], [sflag:$0x1] =	stream.indirect.gather [hbm4b:s0+s13], $0x80, s4, s13, $0xb8;
	[tilespmem:$0x18100] =	vst v63  }
0x1d: {  	_ =	swait.ge [sflag:s15], $0x4000  }
0x1e: {  	[sflag:s15] =	ssyncset.done $0x0  }
0x1f: {  	[sflag:s15] =	ssyncadd.s32 $0xFFFFC000  }
0x20: {  	[spmem:s3] =	stream.indirect.scatter.add.f32 [tilespmem:s14], [sflag:$0x2], $0x80, s13, s13, $0xb8;
	[tilespmem:$0x18100] =	vst v63  }
0x21: {  	_ =	swait.ge [sflag:s12], $0x4000  }
0x22: {  	s18 =	simm.s32 $0x20;
	s17 =	simm.s32 $0x10;
	[sflag:s12] =	ssyncset.done $0x0  }
.LBB2_2:
0x23: {  	s19 =	sadd.s32 s17, s10  }
0x24: {  	[sflag:s12] =	ssyncadd.s32 $0xFFFFC000;
	s20 =	smov.u32 s18;
	s21 =	sadd.s32 $0x10, s18  }
0x25: {  	[tilespmem:s4], [sflag:$0x2] =	stream.linear.gather [hbm4b:s19+s4], $0x80, $0x38;
	[tilespmem:$0x18100] =	vst v63  }
0x26: {  	p0 =	sne.s32 s18, $0x4E0;
	_ =	swait.ge [sflag:s12], $0x80  }
0x27: {  	[sflag:s12] =	ssyncset.done $0x0  }
0x28: {  	s18 =	sadd.s32 s17, s9;
	s17 =	smov.u32 s20;
	[sflag:s12] =	ssyncadd.s32 $0xFFFFFF80  }
0x29: {  	[tilespmem:s13], [sflag:$0x2] =	stream.linear.gather [hbm4b:s18+s4], $0x80, $0x38;
	[tilespmem:$0x18100] =	vst v63  }
0x2a: {  	_ =	swait.ge [sflag:s12], $0x80  }
0x2b: {  	[sflag:s12] =	ssyncset.done $0x0  }
0x2c: {  	[sflag:s12] =	ssyncadd.s32 $0xFFFFFF80  }
0x2d: {  	[tilespmem:s14], [sflag:$0x1] =	stream.indirect.gather [hbm4b:s0+s13], $0x80, s4, s13, $0xb8;
	[tilespmem:$0x18100] =	vst v63  }
0x2e: {  	_ =	swait.ge [sflag:s15], $0x4000  }
.Ltmp0:
0x2f: {  	[sflag:s15] =	ssyncset.done $0x0;
	(pc) =	sbr.rel @p0 .LBB2_2-.Ltmp0, $4  }
0x30: {  	[sflag:s15] =	ssyncadd.s32 $0xFFFFC000  }
0x31: {  	[spmem:s3] =	stream.indirect.scatter.add.f32 [tilespmem:s14], [sflag:$0x2], $0x80, s13, s13, $0xb8;
	[tilespmem:$0x18100] =	vst v63  }
0x32: {  	_ =	swait.ge [sflag:s12], $0x4000  }
0x33: {  	s18 =	smov.u32 s21;
	[sflag:s12] =	ssyncset.done $0x0  }
0x34: {  	s18 =	sadd.s32 s17, s10;
	[sflag:s12] =	ssyncadd.s32 $0xFFFFC000  }
0x35: {  	[tilespmem:s4], [sflag:$0x2] =	stream.linear.gather [hbm4b:s18+s4], $0x80, $0x38;
	[tilespmem:$0x18100] =	vst v63  }
0x36: {  	_ =	swait.ge [sflag:s12], $0x80  }
0x37: {  	[sflag:s12] =	ssyncset.done $0x0  }
0x38: {  	s31 =	sadd.s32 s17, s9;
	[sflag:s12] =	ssyncadd.s32 $0xFFFFFF80  }
0x39: {  	[tilespmem:s13], [sflag:$0x2] =	stream.linear.gather [hbm4b:s31+s4], $0x80, $0x38;
	[tilespmem:$0x18100] =	vst v63  }
0x3a: {  	_ =	swait.ge [sflag:s12], $0x80  }
0x3b: {  	[sflag:s12] =	ssyncset.done $0x0  }
0x3c: {  	[sflag:s12] =	ssyncadd.s32 $0xFFFFFF80  }
0x3d: {  	[tilespmem:s14], [sflag:$0x1] =	stream.indirect.gather [hbm4b:s0+s13], $0x80, s4, s13, $0xb8;
	[tilespmem:$0x18100] =	vst v63  }
0x3e: {  	_ =	swait.ge [sflag:s15], $0x4000  }
0x3f: {  	[sflag:s15] =	ssyncset.done $0x0  }
0x40: {  	[sflag:s15] =	ssyncadd.s32 $0xFFFFC000  }
0x41: {  	[spmem:s3] =	stream.indirect.scatter.add.f32 [tilespmem:s14], [sflag:$0x2], $0x80, s13, s13, $0xb8;
	[tilespmem:$0x18100] =	vst v63  }
0x42: {  	_ =	swait.ge [sflag:s12], $0x4000  }
0x43: {  	s16 =	sadd.s32 $0x1, s16;
	[sflag:s12] =	ssyncset.done $0x0  }
0x44: {  	p0 =	sne.s32 s16, s8;
	[sflag:s12] =	ssyncadd.s32 $0xFFFFC000  }
.Ltmp1:
0x45: {  	[bflag:$0x0] =	sbarrier.arrive $0xFFFF;
	(pc) =	sbr.rel @p0 .LBB2_1-.Ltmp1, $4  }
0x46: {  	[hbm:s7], [sflag:s6] =	dma.local [spmem:s11], $0x2800  }
0x47: {  	_ =	swait.ge [sflag:s12], $0x2800  }
0x48: {  	[sflag:s12] =	ssyncset.done $0x0  }
0x49: {  	[sflag:s12] =	ssyncadd.s32 $0xFFFFD800  }
0x4a: {  	_ =	sfence.sel $0x180000  }
0x4b: {  	[bflag:$0x0] =	sbarrier.arrive $0xFFFF  }
0x4c: {  	p0 =	sne.s32 s2, $0x0;
	_ =	strace $0x9000004A  }
0x4d: {  	s0 =	sadd.s32 @!p0 $0x100000, s1;
	[bflag:$0x2] =	sbarrier.arrive $0xFFFF  }
0x4e: {  	[sflag:s0] =	ssyncadd.tile.s32 @!p0 $0x1;
	_ =	shalt  }
.Lfunc_end2:
_tile_overlayer_lowered:
.L_overlay_start_2:
0x4f: {  	(tag) =	ssettag $0x2  }
0x50: {  	s0 =	rddreg [dreg:$0x0];
	s2 =	stileid.u32  }
0x51: {  	s1 =	rddreg [dreg:$0x1];
	p0 =	sne.s32 s2, $0x0  }
0x52: {  	s3 =	rddreg [dreg:$0x2];
	[bflag:$0x3] =	sbarrier.arrive $0xFFFF;
	s2 =	simm.s32 @!p0 $0x1C02  }
0x53: {  	[timem:s3], [sflag:s2] =	dma.local @!p0 [hbm:s0], s1  }
0x54: {  	s0 =	simm.s32 @!p0 $0x2  }
0x55: {  	_ =	swait.ge @!p0 [sflag:s0], s1  }
0x56: {  	s1 =	ssub.s32 @!p0 $0x0, s1;
	[sflag:s0] =	ssyncset.done @!p0 $0x0  }
0x57: {  	[sflag:s0] =	ssyncadd.s32 @!p0 s1  }
0x58: {  	[bflag:$0x3] =	sbarrier.arrive $0xFFFF  }
0x59: {  	_ =	shalt  }

// kernel: kernel.7.cloned.1.call-start
scs
__scs_entry_jumppad:
0x0: {  	(pc) =	sbr.rel $0x88, $3  }
0x1: {  	(tag) =	ssettag $0x0;
	lr =	simm.s32 $0x1  }
0x2: {  	[smem:$0x3F97] =	sst lr;
	_ =	strace $0xD0000000  }
0x3: {  	_ = 	snop  }
0x4: {  	_ = 	snop  }
0x5: {  	_ = 	snop  }
0x6: {  	_ = 	snop  }
0x7: {  	_ = 	snop  }
__scs_overlays_trampoline_lowered:
0x8: {  	[smem:$0x3FA6] =	sst s0  }
0x9: {  	[smem:$0x3FA7] =	sst s1  }
0xa: {  	[smem:$0x3FA8] =	sst s2  }
0xb: {  	[smem:$0x3FA9] =	sst s3  }
0xc: {  	[smem:$0x3FAA] =	sst s4  }
0xd: {  	[smem:$0x3FAB] =	sst s5  }
0xe: {  	[smem:$0x3FAC] =	sst s6  }
0xf: {  	[smem:$0x3FAD] =	sst s7  }
0x10: {  	[smem:$0x3FAE] =	sst s8  }
0x11: {  	[smem:$0x3FAF] =	sst s9;
	s0 =	simm.s32 @!p0 $0x0  }
0x12: {  	s1 =	sld [smem:$0x3F95];
	s0 =	simm.s32 @p0 $0x1  }
0x13: {  	[smem:$0x3FB0] =	sst s0;
	s0 =	simm.s32 @!p1 $0x0  }
0x14: {  	s2 =	sld [smem:$0x3F94];
	s0 =	simm.s32 @p1 $0x1  }
0x15: {  	[smem:$0x3FB1] =	sst s0;
	s0 =	simm.s32 @!p2 $0x0  }
0x16: {  	s3 =	sld [smem:$0x3FDB];
	s0 =	simm.s32 @p2 $0x1  }
0x17: {  	s4 =	simm.s32 $0x1BF5;
	[smem:$0x3FB3] =	sst s0  }
0x18: {  	s0 =	sld [smem:$0x3F96];
	_ =	swait.ge [sflag:s4], $0x0  }
0x19: {  	s7 =	sld [smem:$0x3F97]  }
0x1a: {  	s8 =	sadd.s32 $0xFFFFE003, lr  }
0x1b: {  	s9 =	sadd.s32 $0xFFFFFEF7, lr;
	s5 =	simm.s32 $0xFFFFFFFF;
	p2 =	slt.u32 s8, $0xFFFFF086  }
0x1c: {  	p1 =	slt.u32 s9, $0xF7A;
	s5 =	simm.s32 @!p2 $0x0  }
0x1d: {  	s5 =	simm.s32 @p1 $0x1;
	p0 =	seq.s32 s7, s2  }
0x1e: {  	s7 =	smul.u32 @!p0 $0xF7A, s2;
	p2 =	seq.s32 @!p0 s5, $0x0  }
0x1f: {  	s9 =	smul.u32 $0xF7A, s1;
	s8 =	simm.s32 @!p0 $0x1BF5;
	p2 =	por !p2, p0  }
0x20: {  	[sflag:s8] =	ssyncset.s32 @!p0 $0xFFFFF086;
	s6 =	sadd.s32 @!p0 s3, s7;
	s7 =	simm.s32 @!p0 $0x108  }
0x21: {  	s3 =	sadd.s32 s3, s9;
	s6 =	sadd.s32 @!p0 $0x88, s6;
	s7 =	simm.s32 @p2 $0x1082  }
0x22: {  	[simem:s7], [sflag:s8] =	dma.local @!p0 [hbm:s6], $0xF7A  }
0x23: {  	s9 =	sor.u32 $0xD0000000, s2;
	s6 =	simm.s32 $0x108;
	_ =	swait.ge @!p0 [sflag:s8], $0x0  }
0x24: {  	s3 =	sadd.s32 $0x88, s3;
	s6 =	simm.s32 @!p1 $0x1082;
	[sflag:s4] =	ssyncset.s32 $0xFFFFF086  }
0x25: {  	[simem:s6], [sflag:s4] =	dma.local [hbm:s3], $0xF7A  }
0x26: {  	[smem:$0x3F97] =	sst s1;
	(tag) =	ssettag s2;
	_ =	strace s9  }
0x27: {  	s1 =	sld [smem:$0x3FA7]  }
0x28: {  	s2 =	sld [smem:$0x3FA8]  }
0x29: {  	s4 =	sld [smem:$0x3FAA]  }
0x2a: {  	p0 =	seq.s32 s5, $0x0;
	s5 =	sld [smem:$0x3FAB]  }
0x2b: {  	s6 =	sld [smem:$0x3FAC]  }
0x2c: {  	s7 =	sld [smem:$0x3FAD]  }
0x2d: {  	s3 =	simm.s32 $0x108;
	s8 =	sld [smem:$0x3FAE]  }
0x2e: {  	s3 =	simm.s32 @!p0 $0x1082;
	s9 =	sld [smem:$0x3FAF]  }
0x2f: {  	lr =	sadd.s32 s0, s3;
	s0 =	sld [smem:$0x3FA6]  }
0x30: {  	s3 =	sld [smem:$0x3FA9]  }
0x31: {  	[smem:$0x3FB2] =	sst s10  }
0x32: {  	s10 =	sld [smem:$0x3FB0];
	_ =	sdelay $0x3  }
0x33: {  	p0 =	seq.s32 s10, $0x1;
	s10 =	sld [smem:$0x3FB2];
	_ =	sdelay $0x3  }
0x34: {  	[smem:$0x3FB2] =	sst s10  }
0x35: {  	s10 =	sld [smem:$0x3FB1];
	_ =	sdelay $0x3  }
0x36: {  	p1 =	seq.s32 s10, $0x1;
	s10 =	sld [smem:$0x3FB2];
	_ =	sdelay $0x3  }
0x37: {  	[smem:$0x3FB2] =	sst s10  }
0x38: {  	s10 =	sld [smem:$0x3FB3]  }
0x39: {  	_ = 	snop;
	(pc) =	sbr.ind lr, $3  }
0x3a: {  	_ = 	snop  }
0x3b: {  	_ = 	snop  }
0x3c: {  	p2 =	seq.s32 s10, $0x1;
	s10 =	sld [smem:$0x3FB2]  }
0x3d: {  	_ =	shalt  }
0x3e: {  	_ =	shalt  }
0x3f: {  	_ =	shalt  }
0x40: {  	_ =	shalt  }
0x41: {  	_ =	shalt  }
0x42: {  	_ =	shalt  }
0x43: {  	_ =	shalt  }
0x44: {  	_ =	shalt  }
0x45: {  	_ =	shalt  }
0x46: {  	_ =	shalt  }
0x47: {  	_ =	shalt  }
0x48: {  	_ =	shalt  }
0x49: {  	_ =	shalt  }
0x4a: {  	_ =	shalt  }
0x4b: {  	_ =	shalt  }
0x4c: {  	_ =	shalt  }
0x4d: {  	_ =	shalt  }
0x4e: {  	_ =	shalt  }
0x4f: {  	_ =	shalt  }
0x50: {  	_ =	shalt  }
0x51: {  	_ =	shalt  }
0x52: {  	_ =	shalt  }
0x53: {  	_ =	shalt  }
0x54: {  	_ =	shalt  }
0x55: {  	_ =	shalt  }
0x56: {  	_ =	shalt  }
0x57: {  	_ =	shalt  }
0x58: {  	_ =	shalt  }
0x59: {  	_ =	shalt  }
0x5a: {  	_ =	shalt  }
0x5b: {  	_ =	shalt  }
0x5c: {  	_ =	shalt  }
0x5d: {  	_ =	shalt  }
0x5e: {  	_ =	shalt  }
0x5f: {  	_ =	shalt  }
0x60: {  	_ =	shalt  }
0x61: {  	_ =	shalt  }
0x62: {  	_ =	shalt  }
0x63: {  	_ =	shalt  }
0x64: {  	_ =	shalt  }
0x65: {  	_ =	shalt  }
0x66: {  	_ =	shalt  }
0x67: {  	_ =	shalt  }
0x68: {  	_ =	shalt  }
0x69: {  	_ =	shalt  }
0x6a: {  	_ =	shalt  }
0x6b: {  	_ =	shalt  }
0x6c: {  	_ =	shalt  }
0x6d: {  	_ =	shalt  }
0x6e: {  	_ =	shalt  }
0x6f: {  	_ =	shalt  }
0x70: {  	_ =	shalt  }
0x71: {  	_ =	shalt  }
0x72: {  	_ =	shalt  }
0x73: {  	_ =	shalt  }
0x74: {  	_ =	shalt  }
0x75: {  	_ =	shalt  }
0x76: {  	_ =	shalt  }
0x77: {  	_ =	shalt  }
0x78: {  	_ =	shalt  }
0x79: {  	_ =	shalt  }
0x7a: {  	_ =	shalt  }
0x7b: {  	_ =	shalt  }
0x7c: {  	_ =	shalt  }
0x7d: {  	_ =	shalt  }
0x7e: {  	_ =	shalt  }
0x7f: {  	_ =	shalt  }
0x80: {  	_ =	shalt  }
0x81: {  	_ =	shalt  }
0x82: {  	_ =	shalt  }
0x83: {  	_ =	shalt  }
0x84: {  	_ =	shalt  }
0x85: {  	_ =	shalt  }
0x86: {  	_ =	shalt  }
0x87: {  	_ =	shalt  }
.Lfunc_end0:
.L_simem_size_0:
called_computation_lowered:
.L_overlay_start_0:
0x88: {  	s2 =	sld [smem:$0x3FD9]  }
0x89: {  	s3 =	sld [smem:$0x3FFE];
	_ =	sdelay $0x1  }
0x8a: {  	s1 =	srdreg.scid  }
0x8b: {  	s0 =	sand.u32 $0x1, s1  }
0x8c: {  	s17 =	sshll.u32 s0, $0xA;
	s2 =	sadd.s32 s3, s2  }
0x8d: {  	s2 =	sadd.s32 s2, s17  }
0x8e: {  	[smem:$0x3FBE] =	sst s2  }
0x8f: {  	_ = 	snop  }
0x90: {  	s2 =	sld [smem:$0x3FD0];
	(tm) =	ssettm $0x1  }
0x91: {  	s18 =	sld [smem:$0x3FFB];
	_ =	sdelay $0x3  }
0x92: {  	_ =	strace s18  }
0x93: {  	s3 =	sld [smem:$0x3FFC];
	_ =	sdelay $0x3  }
0x94: {  	_ =	strace s3  }
0x95: {  	s3 =	sld [smem:$0x3FFD];
	_ =	sdelay $0x3  }
0x96: {  	_ =	strace s3  }
0x97: {  	_ =	strace $0x8FFFFFFF  }
0x98: {  	s19 =	sld [smem:$0x3FDB];
	_ =	sdelay $0x1  }
0x99: {  	s4 =	simm.s32 $_scs_section_size  }
0x9a: {  	s5 =	simm.s32 $_size__tile_overlayer_lowered;
	s6 =	simm.s32 $_tile_overlayer_lowered  }
0x9b: {  	s22 =	simm.s32 $0x1BFF;
	s21 =	sshll.u32 s6, $0x1;
	s3 =	sadd.s32 s4, s19  }
0x9c: {  	s7 =	simm.s32 $0x0;
	s20 =	sshll.u32 s5, $0x1;
	s5 =	sadd.s32 s21, s3  }
0x9d: {  	[timem:s7], [sflag:s22] =	dma.local [hbm:s5], s20  }
0x9e: {  	_ =	swait.ge [sflag:s22], s20  }
0x9f: {  	s4 =	ssub.s32 $0x0, s20;
	[sflag:s22] =	ssyncset.done $0x0  }
0xa0: {  	[sflag:s22] =	ssyncadd.s32 s4;
	_ =	sdelay $0x1  }
0xa1: {  	s23 =	simm.s32 $0x1B8B  }
0xa2: {  	_ =	swait.ge [sflag:s23], $0x1  }
0xa3: {  	[sflag:s23] =	ssyncset.done $0x0  }
0xa4: {  	s25 =	simm.s32 $0x1B8E;
	s24 =	sld [smem:$0x3FFE];
	[sflag:s23] =	ssyncadd.s32 $0xFFFFFFFF  }
0xa5: {  	s26 =	simm.s32 $execute0_lowered;
	[smem:$0x3FD2] =	sst s25  }
0xa6: {  	s5 =	sshll.u32 s26, $0x1;
	_ =	strace $0x80000046;
	[dreg:$0x1] =	wrdreg $0xFFFFFFFF  }
0xa7: {  	s28 =	simm.s32 $_size_execute0_lowered;
	s3 =	sadd.s32 s3, s5;
	[dreg:$0x0] =	wrdreg $0x0  }
0xa8: {  	s5 =	sshll.u32 s28, $0x1;
	[dreg:$0x2] =	wrdreg s3  }
0xa9: {  	[dreg:$0x3] =	wrdreg s5  }
0xaa: {  	[dreg:$0x4] =	wrdreg $0xC0  }
0xab: {  	_ =	task [dreg:s7], $0x5FFFF  }
0xac: {  	[dreg:$0x1] =	wrdreg $0xFFFFFFFF  }
0xad: {  	[dreg:$0x0] =	wrdreg $0x60  }
0xae: {  	[dreg:$0x2] =	wrdreg s2  }
0xaf: {  	[dreg:$0x3] =	wrdreg s24  }
0xb0: {  	[dreg:$0x4] =	wrdreg $0x41000  }
0xb1: {  	[dreg:$0x5] =	wrdreg $0x9  }
0xb2: {  	_ =	task.clear_ibuf [dreg:s7], $0x6FFFF;
	_ =	strace $0x90000046  }
0xb3: {  	s29 =	simm.s32 $0x9;
	_ =	strace $0x80000048  }
0xb4: {  	_ =	swait.ge [sflag:s29], $0x1  }
0xb5: {  	[sflag:s29] =	ssyncadd.s32 $0xFFFFFFFF  }
0xb6: {  	_ =	strace $0x90000048  }
0xb7: {  	_ =	sfence  }
0xb8: {  	s30 =	sld [smem:$0x0];
	_ =	sdelay $0x2  }
0xb9: {  	s31 =	sshll.u32 s1, $0xD;
	s1 =	sshrl.u32 s1, $0x2  }
0xba: {  	s3 =	sand.u32 $0x4000, s31;
	s1 =	sadd.s32 s1, s30  }
0xbb: {  	s0 =	sor.u32 s3, s0;
	s1 =	sshll.u32 s1, $0x11  }
0xbc: {  	s0 =	sor.u32 s1, s0  }
0xbd: {  	s0 =	sadd.s32 $0x8F2B, s0  }
0xbe: {  	[sflag:s0] =	ssyncadd.remote.s32 $0x1  }
0xbf: {  	_ =	sfence.sel $0xFFFF  }
0xc0: {  	[dreg:$0x0] =	wrdreg $0xFFFFFFFF;
	(pc) =	sbr.abs _section_cstart, $3  }
0xc1: {  	[dreg:$0x1] =	wrdreg $0xFFFFFFFF  }
0xc2: {  	_ =	task.clear_ibuf [dreg:s7], $0x2FFFF;
	_ =	strace $0x9FFFFFFF  }
0xc3: {  	(tm) =	ssettm $0x7FFFFFFF  }
tec
execute0_lowered:
.L_overlay_start_1:
0x0: {  	(tag) =	ssettag $0x1  }
0x1: {  	s0 =	rddreg [dreg:$0x0]  }
0x2: {  	s6 =	rddreg [dreg:$0x1];
	s1 =	srdreg.scid  }
0x3: {  	s3 =	rddreg [dreg:$0x2];
	s2 =	stileid.u32  }
0x4: {  	s4 =	simm.s32 $0x0;
	s14 =	simm.s32 $0x100;
	s8 =	smul.u32 $0x14000, s2  }
0x5: {  	s15 =	simm.s32 $0x1;
	s16 =	simm.s32 $0x0;
	s9 =	smul.u32 $0x9E0, s2  }
0x6: {  	s7 =	sand.u32 $0x1, s1;
	s1 =	rddreg [dreg:$0x3];
	s10 =	smul.u32 $0x50000, s2  }
0x7: {  	[smem:$0x7FF] =	sst s4;
	s30 =	sshll.u32 s2, $0x6;
	s5 =	smul.u32 $0x140000, s7  }
0x8: {  	_ =	strace $0x80000047;
	s29 =	ssub.s32 $0x2, s7;
	s12 =	smul.u32 $0x4F0, s7  }
0x9: {  	s26 =	sadd.s32 s9, s6;
	s11 =	sshrl.u32 s29, $0x1;
	s10 =	sshrl.u32 s10, $0x2  }
0xa: {  	s5 =	sadd.s32 s8, s5;
	s11 =	ssub.s32 s29, s11;
	s13 =	sadd.s32 s10, s3  }
0xb: {  	s31 =	sadd.s32 s12, s26;
	s12 =	simm.s32 $0x2;
	s28 =	sshrl.u32 s5, $0x3  }
0xc: {  	s5 =	sadd.s32 $0x15800, s6;
	s8 =	smax.u32 s11, $0x1;
	s10 =	sadd.s32 $0xBA00, s31  }
0xd: {  	s11 =	sshrl.u32 s13, $0x3;
	s13 =	simm.s32 $0x80;
	s9 =	sadd.s32 s28, s6  }
0xe: {  	s6 =	sor.u32 $0x1C02, s30;
	s7 =	sadd.s32 $0x18000, s9;
	s9 =	sadd.s32 $0x1C00, s31  }
.LBB2_1:
0xf: {  	[spmem:s11], [sflag:s6] =	dma.local [hbm:s5], $0x2800  }
0x10: {  	_ =	swait.ge [sflag:s12], $0x2800  }
0x11: {  	[sflag:s12] =	ssyncset.done $0x0  }
0x12: {  	[sflag:s12] =	ssyncadd.s32 $0xFFFFD800  }
0x13: {  	s17 =	sadd.s32 $0x0, s10;
	[bflag:$0x0] =	sbarrier.arrive $0xFFFF  }
0x14: {  	[tilespmem:s4], [sflag:$0x2] =	stream.linear.gather [hbm4b:s17+s4], $0x80, $0x38;
	[tilespmem:$0x18100] =	vst v63  }
0x15: {  	_ =	swait.ge [sflag:s12], $0x80  }
0x16: {  	[sflag:s12] =	ssyncset.done $0x0  }
0x17: {  	s31 =	sadd.s32 $0x0, s9;
	[sflag:s12] =	ssyncadd.s32 $0xFFFFFF80  }
0x18: {  	[tilespmem:s13], [sflag:$0x2] =	stream.linear.gather [hbm4b:s31+s4], $0x80, $0x38;
	[tilespmem:$0x18100] =	vst v63  }
0x19: {  	_ =	swait.ge [sflag:s12], $0x80  }
0x1a: {  	[sflag:s12] =	ssyncset.done $0x0  }
0x1b: {  	[sflag:s12] =	ssyncadd.s32 $0xFFFFFF80  }
0x1c: {  	[tilespmem:s14], [sflag:$0x1] =	stream.indirect.gather [hbm4b:s0+s13], $0x80, s4, s13, $0xb8;
	[tilespmem:$0x18100] =	vst v63  }
0x1d: {  	_ =	swait.ge [sflag:s15], $0x4000  }
0x1e: {  	[sflag:s15] =	ssyncset.done $0x0  }
0x1f: {  	[sflag:s15] =	ssyncadd.s32 $0xFFFFC000  }
0x20: {  	[spmem:s3] =	stream.indirect.scatter.add.f32 [tilespmem:s14], [sflag:$0x2], $0x80, s13, s13, $0xb8;
	[tilespmem:$0x18100] =	vst v63  }
0x21: {  	_ =	swait.ge [sflag:s12], $0x4000  }
0x22: {  	s18 =	simm.s32 $0x20;
	s17 =	simm.s32 $0x10;
	[sflag:s12] =	ssyncset.done $0x0  }
.LBB2_2:
0x23: {  	s19 =	sadd.s32 s17, s10  }
0x24: {  	[sflag:s12] =	ssyncadd.s32 $0xFFFFC000;
	s20 =	smov.u32 s18;
	s21 =	sadd.s32 $0x10, s18  }
0x25: {  	[tilespmem:s4], [sflag:$0x2] =	stream.linear.gather [hbm4b:s19+s4], $0x80, $0x38;
	[tilespmem:$0x18100] =	vst v63  }
0x26: {  	p0 =	sne.s32 s18, $0x4E0;
	_ =	swait.ge [sflag:s12], $0x80  }
0x27: {  	[sflag:s12] =	ssyncset.done $0x0  }
0x28: {  	s18 =	sadd.s32 s17, s9;
	s17 =	smov.u32 s20;
	[sflag:s12] =	ssyncadd.s32 $0xFFFFFF80  }
0x29: {  	[tilespmem:s13], [sflag:$0x2] =	stream.linear.gather [hbm4b:s18+s4], $0x80, $0x38;
	[tilespmem:$0x18100] =	vst v63  }
0x2a: {  	_ =	swait.ge [sflag:s12], $0x80  }
0x2b: {  	[sflag:s12] =	ssyncset.done $0x0  }
0x2c: {  	[sflag:s12] =	ssyncadd.s32 $0xFFFFFF80  }
0x2d: {  	[tilespmem:s14], [sflag:$0x1] =	stream.indirect.gather [hbm4b:s0+s13], $0x80, s4, s13, $0xb8;
	[tilespmem:$0x18100] =	vst v63  }
0x2e: {  	_ =	swait.ge [sflag:s15], $0x4000  }
.Ltmp0:
0x2f: {  	[sflag:s15] =	ssyncset.done $0x0;
	(pc) =	sbr.rel @p0 .LBB2_2-.Ltmp0, $4  }
0x30: {  	[sflag:s15] =	ssyncadd.s32 $0xFFFFC000  }
0x31: {  	[spmem:s3] =	stream.indirect.scatter.add.f32 [tilespmem:s14], [sflag:$0x2], $0x80, s13, s13, $0xb8;
	[tilespmem:$0x18100] =	vst v63  }
0x32: {  	_ =	swait.ge [sflag:s12], $0x4000  }
0x33: {  	s18 =	smov.u32 s21;
	[sflag:s12] =	ssyncset.done $0x0  }
0x34: {  	s18 =	sadd.s32 s17, s10;
	[sflag:s12] =	ssyncadd.s32 $0xFFFFC000  }
0x35: {  	[tilespmem:s4], [sflag:$0x2] =	stream.linear.gather [hbm4b:s18+s4], $0x80, $0x38;
	[tilespmem:$0x18100] =	vst v63  }
0x36: {  	_ =	swait.ge [sflag:s12], $0x80  }
0x37: {  	[sflag:s12] =	ssyncset.done $0x0  }
0x38: {  	s31 =	sadd.s32 s17, s9;
	[sflag:s12] =	ssyncadd.s32 $0xFFFFFF80  }
0x39: {  	[tilespmem:s13], [sflag:$0x2] =	stream.linear.gather [hbm4b:s31+s4], $0x80, $0x38;
	[tilespmem:$0x18100] =	vst v63  }
0x3a: {  	_ =	swait.ge [sflag:s12], $0x80  }
0x3b: {  	[sflag:s12] =	ssyncset.done $0x0  }
0x3c: {  	[sflag:s12] =	ssyncadd.s32 $0xFFFFFF80  }
0x3d: {  	[tilespmem:s14], [sflag:$0x1] =	stream.indirect.gather [hbm4b:s0+s13], $0x80, s4, s13, $0xb8;
	[tilespmem:$0x18100] =	vst v63  }
0x3e: {  	_ =	swait.ge [sflag:s15], $0x4000  }
0x3f: {  	[sflag:s15] =	ssyncset.done $0x0  }
0x40: {  	[sflag:s15] =	ssyncadd.s32 $0xFFFFC000  }
0x41: {  	[spmem:s3] =	stream.indirect.scatter.add.f32 [tilespmem:s14], [sflag:$0x2], $0x80, s13, s13, $0xb8;
	[tilespmem:$0x18100] =	vst v63  }
0x42: {  	_ =	swait.ge [sflag:s12], $0x4000  }
0x43: {  	s16 =	sadd.s32 $0x1, s16;
	[sflag:s12] =	ssyncset.done $0x0  }
0x44: {  	p0 =	sne.s32 s16, s8;
	[sflag:s12] =	ssyncadd.s32 $0xFFFFC000  }
.Ltmp1:
0x45: {  	[bflag:$0x0] =	sbarrier.arrive $0xFFFF;
	(pc) =	sbr.rel @p0 .LBB2_1-.Ltmp1, $4  }
0x46: {  	[hbm:s7], [sflag:s6] =	dma.local [spmem:s11], $0x2800  }
0x47: {  	_ =	swait.ge [sflag:s12], $0x2800  }
0x48: {  	[sflag:s12] =	ssyncset.done $0x0  }
0x49: {  	[sflag:s12] =	ssyncadd.s32 $0xFFFFD800  }
0x4a: {  	_ =	sfence.sel $0x180000  }
0x4b: {  	[bflag:$0x0] =	sbarrier.arrive $0xFFFF  }
0x4c: {  	p0 =	sne.s32 s2, $0x0;
	_ =	strace $0x90000047  }
0x4d: {  	s0 =	sadd.s32 @!p0 $0x100000, s1;
	[bflag:$0x2] =	sbarrier.arrive $0xFFFF  }
0x4e: {  	[sflag:s0] =	ssyncadd.tile.s32 @!p0 $0x1;
	_ =	shalt  }
.Lfunc_end2:
_tile_overlayer_lowered:
.L_overlay_start_2:
0x4f: {  	(tag) =	ssettag $0x2  }
0x50: {  	s0 =	rddreg [dreg:$0x0];
	s2 =	stileid.u32  }
0x51: {  	s1 =	rddreg [dreg:$0x1];
	p0 =	sne.s32 s2, $0x0  }
0x52: {  	s3 =	rddreg [dreg:$0x2];
	[bflag:$0x3] =	sbarrier.arrive $0xFFFF;
	s2 =	simm.s32 @!p0 $0x1C02  }
0x53: {  	[timem:s3], [sflag:s2] =	dma.local @!p0 [hbm:s0], s1  }
0x54: {  	s0 =	simm.s32 @!p0 $0x2  }
0x55: {  	_ =	swait.ge @!p0 [sflag:s0], s1  }
0x56: {  	s1 =	ssub.s32 @!p0 $0x0, s1;
	[sflag:s0] =	ssyncset.done @!p0 $0x0  }
0x57: {  	[sflag:s0] =	ssyncadd.s32 @!p0 s1  }
0x58: {  	[bflag:$0x3] =	sbarrier.arrive $0xFFFF  }
0x59: {  	_ =	shalt  }

</sc_bundles>
